<compile_context>
chip_gen: v7x
topology: tpu7x:2x2x1
jax: 0.10.2.dev20260603
libtpu: 0.0.44.dev20260713+nightly
codegen_flags: <defaults>
</compile_context>

<pallas_src>
import jax
import jax.numpy as jnp
from jax import lax
from jax.experimental import pallas as pl
from jax.experimental.pallas import tpu as pltpu
from jax.experimental.pallas import tpu_sc as plsc

N_NODES = 10000
N_EDGES = 160000
FEATS = 256
HALF = 128
TILES = 16
EDGES_PER_TILE = N_EDGES // TILES
CHUNK = 128
EPT_PAD = 10112
NCHUNK = EPT_PAD // CHUNK
ROWS_PER_TILE = 632
N_PAD = ROWS_PER_TILE * TILES
MBLK = 400


def _prescale_body(h_ref, norm_ref, out_ref):
    out_ref[0] = h_ref[...] * norm_ref[...]


def _prescale(h, norm):
    return pl.pallas_call(
        _prescale_body,
        grid=(2, N_NODES // MBLK),
        in_specs=[
            pl.BlockSpec((MBLK, HALF), lambda c, i: (i, c)),
            pl.BlockSpec((MBLK, 1), lambda c, i: (i, 0)),
        ],
        out_specs=pl.BlockSpec((1, MBLK, HALF), lambda c, i: (c, i, 0)),
        out_shape=jax.ShapeDtypeStruct((2, N_NODES, HALF), jnp.float32),
    )(h, norm)


def _sc_agg_body(g_hbm, srcidx_hbm, dstidx_hbm, zeros_hbm, out_hbm,
                 src_v, dst_a, dst_b, rows_a, rows_b, acc_sh,
                 sem_a, sem_b, sem_da, sem_db):
    c = lax.axis_index("c")
    s = lax.axis_index("s")
    pltpu.sync_copy(srcidx_hbm.at[s], src_v)

    @pl.when(c == 1)
    def _():
        def _off(r, carry):
            for k in range(CHUNK // 16):
                sl = pl.ds(k * 16, 16)
                src_v[r, sl] = src_v[r, sl] + N_NODES
            return carry
        lax.fori_loop(0, NCHUNK, _off, 0)
    pltpu.async_copy(dstidx_hbm.at[s, 0], dst_a, sem_da)
    pltpu.async_copy(g_hbm.at[src_v.at[0]], rows_a, sem_a)
    row0 = s * ROWS_PER_TILE
    pltpu.sync_copy(zeros_hbm.at[pl.ds(row0, ROWS_PER_TILE)],
                    acc_sh.at[pl.ds(row0, ROWS_PER_TILE)])
    plsc.subcore_barrier()

    sphase = lax.rem(s, 2)

    def scatter_phased(rv, dv, first):
        @pl.when(sphase == first)
        def _():
            pltpu.sync_copy(rv, acc_sh.at[dv.at[0]], add=True)
        plsc.subcore_barrier()

        @pl.when(sphase == 1 - first)
        def _():
            pltpu.sync_copy(rv, acc_sh.at[dv.at[0]], add=True)

    def pair(i, carry):
        j0 = 2 * i
        pltpu.async_copy(dstidx_hbm.at[s, j0 + 1], dst_b, sem_db)
        pltpu.async_copy(g_hbm.at[src_v.at[j0 + 1]], rows_b, sem_b)
        pltpu.make_async_copy(g_hbm.at[src_v.at[j0]], rows_a, sem_a).wait()
        pltpu.make_async_copy(dstidx_hbm.at[s, j0], dst_a, sem_da).wait()
        scatter_phased(rows_a, dst_a, 0)
        pltpu.async_copy(dstidx_hbm.at[s, j0 + 2], dst_a, sem_da)
        pltpu.async_copy(g_hbm.at[src_v.at[j0 + 2]], rows_a, sem_a)
        pltpu.make_async_copy(g_hbm.at[src_v.at[j0 + 1]], rows_b, sem_b).wait()
        pltpu.make_async_copy(dstidx_hbm.at[s, j0 + 1], dst_b, sem_db).wait()
        scatter_phased(rows_b, dst_b, 1)
        return carry

    lax.fori_loop(0, (NCHUNK - 1) // 2, pair, 0)
    pltpu.make_async_copy(g_hbm.at[src_v.at[NCHUNK - 1]], rows_a, sem_a).wait()
    pltpu.make_async_copy(dstidx_hbm.at[s, NCHUNK - 1], dst_a, sem_da).wait()
    scatter_phased(rows_a, dst_a, 0)
    plsc.subcore_barrier()
    pltpu.sync_copy(acc_sh.at[pl.ds(row0, ROWS_PER_TILE)],
                    out_hbm.at[c, pl.ds(row0, ROWS_PER_TILE)])


def _sc_aggregate(g2, src3, dst4, zeros):
    mesh = plsc.VectorSubcoreMesh(core_axis_name="c", subcore_axis_name="s")
    f = pl.kernel(
        _sc_agg_body,
        out_type=jax.ShapeDtypeStruct((2, N_PAD, HALF), jnp.float32),
        mesh=mesh,
        scratch_types=[
            pltpu.VMEM((NCHUNK, CHUNK), jnp.int32),
            pltpu.VMEM((1, CHUNK), jnp.int32),
            pltpu.VMEM((1, CHUNK), jnp.int32),
            pltpu.VMEM((CHUNK, HALF), jnp.float32),
            pltpu.VMEM((CHUNK, HALF), jnp.float32),
            pltpu.VMEM_SHARED((N_PAD, HALF), jnp.float32),
            pltpu.SemaphoreType.DMA,
            pltpu.SemaphoreType.DMA,
            pltpu.SemaphoreType.DMA,
            pltpu.SemaphoreType.DMA,
        ],
    )
    return f(g2.reshape(2 * N_NODES, HALF), src3, dst4, zeros)


def _mm_body(a_ref, w_ref, norm_ref, b_ref, out_ref):
    w = w_ref[...]
    x = jnp.dot(a_ref[0], w[:HALF], preferred_element_type=jnp.float32)
    x = x + jnp.dot(a_ref[1], w[HALF:], preferred_element_type=jnp.float32)
    out_ref[...] = jnp.maximum(x * norm_ref[...] + b_ref[...], 0.0)


def _mm(a2, weight, norm, bias):
    return pl.pallas_call(
        _mm_body,
        grid=(N_NODES // MBLK,),
        in_specs=[
            pl.BlockSpec((2, MBLK, HALF), lambda i: (0, i, 0)),
            pl.BlockSpec((FEATS, FEATS), lambda i: (0, 0)),
            pl.BlockSpec((MBLK, 1), lambda i: (i, 0)),
            pl.BlockSpec((1, FEATS), lambda i: (0, 0)),
        ],
        out_specs=pl.BlockSpec((MBLK, FEATS), lambda i: (i, 0)),
        out_shape=jax.ShapeDtypeStruct((N_NODES, FEATS), jnp.float32),
    )(a2, weight, norm, bias.reshape(1, FEATS))


def kernel(h, norm, edge_index, weight, bias):
    src = edge_index[0].astype(jnp.int32).reshape(TILES, EDGES_PER_TILE)
    dst = edge_index[1].astype(jnp.int32).reshape(TILES, EDGES_PER_TILE)
    npad = EPT_PAD - EDGES_PER_TILE
    i = jnp.arange(npad, dtype=jnp.int32)
    pad_src = jnp.broadcast_to((i * 89) % N_NODES, (TILES, npad))
    pad_dst = (N_NODES + 7 * jnp.arange(TILES, dtype=jnp.int32)[:, None]
               + i[None, :] % 7)
    src3 = jnp.concatenate([src, pad_src], axis=1).reshape(TILES, NCHUNK, CHUNK)
    dst4 = jnp.concatenate([dst, pad_dst], axis=1).reshape(TILES, NCHUNK, 1, CHUNK)
    g2 = _prescale(h, norm)
    zeros = jnp.zeros((N_PAD, HALF), jnp.float32)
    a2 = _sc_aggregate(g2, src3, dst4, zeros)
    return _mm(a2, weight, norm, bias)

# --- scband reference (transcript-rebuilt; emitter-appended) ---
"""Pipeline reference for scband-gcl-28681791603389 (READ-ONLY COPY).

The authoritative reference and input builder live on the scoring server;
editing this copy changes nothing except your own understanding.
"""

import jax, jax.numpy as jnp
import numpy as np

N_NODES = 10000
N_EDGES = 160000
IN_FEATS = 256
OUT_FEATS = 256


def setup_inputs(seed: int = 0) -> dict:
    key = jax.random.key(seed)
    k1, k2, k3, k4, k5 = jax.random.split(key, 5)
    h = jax.random.normal(k1, (N_NODES, IN_FEATS), dtype=jnp.float32)
    norm = jax.random.uniform(k2, (N_NODES, 1), dtype=jnp.float32)
    edge_index = jax.random.randint(k3, (2, N_EDGES), 0, N_NODES, dtype=jnp.int64)
    stdv = 1.0 / np.sqrt(OUT_FEATS)
    weight = jax.random.uniform(k4, (IN_FEATS, OUT_FEATS), dtype=jnp.float32, minval=-stdv, maxval=stdv)
    bias = jax.random.uniform(k5, (OUT_FEATS,), dtype=jnp.float32, minval=-stdv, maxval=stdv)
    return {"h": h, "norm": norm, "edge_index": edge_index, "weight": weight, "bias": bias}


def reference(h, norm, edge_index, weight, bias):
    # GCN layer: h' = act(norm * A^T (norm * (h W)) + b)
    # dropout p=0.0 -> identity (eval-equivalent)
    h = jnp.matmul(h, weight)
    h = h * norm
    src = edge_index[0]
    dst = edge_index[1]
    # update_all(copy_src, sum): gather from src, scatter-add to dst
    msgs = jnp.take(h, src, axis=0)
    h = jax.ops.segment_sum(msgs, dst, num_segments=N_NODES)
    h = h * norm
    h = h + bias
    h = jax.nn.relu(h)
    return h

if __name__ == "__main__":
    import jax
    _d = setup_inputs()
    print(jax.jit(kernel)(*tuple(_d.values())))

</pallas_src>

<mosaic_0001>
#map = affine_map<(d0, d1) -> (0, 0)>
#map1 = affine_map<(d0, d1) -> (0, 0, 0)>
#map2 = affine_map<(d0, d1) -> (0, 0, 0, 0)>
module attributes {stable_mosaic.version = 14 : i64} {
  func.func @_sc_agg_body(%arg0: i32, %arg1: i32, %arg2: memref<20000x128xf32, #tpu.memory_space<hbm>>, %arg3: memref<16x79x128xi32, #tpu.memory_space<hbm>>, %arg4: memref<16x79x1x128xi32, #tpu.memory_space<hbm>>, %arg5: memref<10112x128xf32, #tpu.memory_space<hbm>>, %arg6: memref<2x10112x128xf32, #tpu.memory_space<hbm>>, %arg7: memref<79x128xi32, #tpu.memory_space<vmem>>, %arg8: memref<1x128xi32, #tpu.memory_space<vmem>>, %arg9: memref<1x128xi32, #tpu.memory_space<vmem>>, %arg10: memref<128x128xf32, #tpu.memory_space<vmem>>, %arg11: memref<128x128xf32, #tpu.memory_space<vmem>>, %arg12: memref<10112x128xf32, #tpu.memory_space<vmem_shared>>, %arg13: memref<!tpu.dma_semaphore, #tpu.memory_space<semaphore_mem>>, %arg14: memref<!tpu.dma_semaphore, #tpu.memory_space<semaphore_mem>>, %arg15: memref<!tpu.dma_semaphore, #tpu.memory_space<semaphore_mem>>, %arg16: memref<!tpu.dma_semaphore, #tpu.memory_space<semaphore_mem>>) attributes {dimension_semantics = [#tpu.dimension_semantics<core_parallel>, #tpu.dimension_semantics<subcore_parallel>], iteration_bounds = array<i64: 2, 16>, scalar_prefetch = 0 : i64, scratch_operands = 10 : i64, tpu.core_type = #tpu.core_type<sc_vector_subcore>, window_params = [{transform_indices = #map}, {transform_indices = #map1}, {transform_indices = #map2}, {transform_indices = #map}, {transform_indices = #map1}]} {
    "tpu.region"() ({
      %run_scoped3A = tpu.sem_alloc : memref<!tpu.dma_semaphore, #tpu.memory_space<semaphore_mem>>
      %dma_start3A_51 = arith.constant 0 : i32
      %dma_start3A_52 = arith.constant 0 : i32
      %dma_start3A_53 = tpu.memref_slice %arg3[%arg1, %dma_start3A_51, %dma_start3A_52] : memref<16x79x128xi32, #tpu.memory_space<hbm>> -> memref<1x79x128xi32, #tpu.memory_space<hbm>>
      %dma_start3A_54 = tpu.memref_squeeze %dma_start3A_53 : memref<1x79x128xi32, #tpu.memory_space<hbm>> -> memref<79x128xi32, #tpu.memory_space<hbm>>
      %dma_start3A_55 = arith.constant 0 : i32
      %dma_start3A_56 = arith.constant 0 : i32
      %dma_start3A_57 = tpu.memref_slice %arg3[%arg1, %dma_start3A_55, %dma_start3A_56] : memref<16x79x128xi32, #tpu.memory_space<hbm>> -> memref<1x79x128xi32, #tpu.memory_space<hbm>>
      %dma_start3A_58 = tpu.memref_squeeze %dma_start3A_57 : memref<1x79x128xi32, #tpu.memory_space<hbm>> -> memref<79x128xi32, #tpu.memory_space<hbm>>
      tpu.enqueue_dma source(%dma_start3A_58 : memref<79x128xi32, #tpu.memory_space<hbm>>) target(%arg7 : memref<79x128xi32, #tpu.memory_space<vmem>>) target_semaphore(%run_scoped3A : memref<!tpu.dma_semaphore, #tpu.memory_space<semaphore_mem>>)
      %dma_wait3A_59 = arith.constant 0 : i32
      %dma_wait3A_60 = arith.constant 0 : i32
      %dma_wait3A_61 = tpu.memref_slice %arg3[%arg1, %dma_wait3A_59, %dma_wait3A_60] : memref<16x79x128xi32, #tpu.memory_space<hbm>> -> memref<1x79x128xi32, #tpu.memory_space<hbm>>
      %dma_wait3A_62 = tpu.memref_squeeze %dma_wait3A_61 : memref<1x79x128xi32, #tpu.memory_space<hbm>> -> memref<79x128xi32, #tpu.memory_space<hbm>>
      %dma_wait3A_63 = arith.constant 0 : i32
      %dma_wait3A_64 = arith.constant 0 : i32
      %dma_wait3A_65 = tpu.memref_slice %arg3[%arg1, %dma_wait3A_63, %dma_wait3A_64] : memref<16x79x128xi32, #tpu.memory_space<hbm>> -> memref<1x79x128xi32, #tpu.memory_space<hbm>>
      %dma_wait3A_66 = tpu.memref_squeeze %dma_wait3A_65 : memref<1x79x128xi32, #tpu.memory_space<hbm>> -> memref<79x128xi32, #tpu.memory_space<hbm>>
      tpu.wait_dma2 semaphore(%run_scoped3A : memref<!tpu.dma_semaphore, #tpu.memory_space<semaphore_mem>>) src(%dma_wait3A_66 : memref<79x128xi32, #tpu.memory_space<hbm>>) dst(%arg7 : memref<79x128xi32, #tpu.memory_space<vmem>>)
      tpu.yield
    }) : () -> ()
    %eq3A = arith.constant 1 : i32
    %eq3A_0 = arith.cmpi eq, %arg0, %eq3A : i32
    %convert_element_type3A = arith.extui %eq3A_0 : i1 to i32
    %cond3A = arith.constant 0 : i32
    %cond3A_1 = arith.cmpi ne, %convert_element_type3A, %cond3A : i32
    scf.if %cond3A_1 {
      %scan3A_51 = arith.constant 0 : i32
      %scan3A_52 = arith.constant 0 : i32
      %scan3A_53 = arith.constant 79 : i32
      %scan3A_54 = arith.addi %scan3A_52, %scan3A_53 : i32
      %scan3A_55 = arith.constant 1 : i32
      scf.for %scan3A_57 = %scan3A_52 to %scan3A_54 step %scan3A_55  : i32 {
        %get3A = arith.index_cast %scan3A_57 : i32 to index
        %get3A_58 = arith.constant 0 : index
        %get3A_59 = tpu.vector_load %arg7[%get3A, %get3A_58] {strides = array<i32>} : memref<79x128xi32, #tpu.memory_space<vmem>>, vector<1x16xi32>,
        %get3A_60 = vector.shape_cast %get3A_59 : vector<1x16xi32> to vector<16xi32>
        %add3A = arith.constant 10000 : i32
        %add3A_61 = vector.broadcast %add3A : i32 to vector<16xi32>
        %add3A_62 = arith.addi %get3A_60, %add3A_61 : vector<16xi32>
        %swap3A = arith.index_cast %scan3A_57 : i32 to index
        %swap3A_63 = arith.constant 0 : index
        %swap3A_64 = tpu.vector_load %arg7[%swap3A, %swap3A_63] {strides = array<i32>} : memref<79x128xi32, #tpu.memory_space<vmem>>, vector<1x16xi32>,
        %swap3A_65 = vector.shape_cast %swap3A_64 : vector<1x16xi32> to vector<16xi32>
        %swap3A_66 = vector.shape_cast %add3A_62 : vector<16xi32> to vector<1x16xi32>
        tpu.vector_store %arg7[%swap3A, %swap3A_63], %swap3A_66 {strides = array<i32>} : memref<79x128xi32, #tpu.memory_space<vmem>>, vector<1x16xi32>,
        %get3A_67 = arith.index_cast %scan3A_57 : i32 to index
        %get3A_68 = arith.constant 16 : index
        %get3A_69 = tpu.vector_load %arg7[%get3A_67, %get3A_68] {strides = array<i32>} : memref<79x128xi32, #tpu.memory_space<vmem>>, vector<1x16xi32>,
        %get3A_70 = vector.shape_cast %get3A_69 : vector<1x16xi32> to vector<16xi32>
        %add3A_71 = arith.constant 10000 : i32
        %add3A_72 = vector.broadcast %add3A_71 : i32 to vector<16xi32>
        %add3A_73 = arith.addi %get3A_70, %add3A_72 : vector<16xi32>
        %swap3A_74 = arith.index_cast %scan3A_57 : i32 to index
        %swap3A_75 = arith.constant 16 : index
        %swap3A_76 = tpu.vector_load %arg7[%swap3A_74, %swap3A_75] {strides = array<i32>} : memref<79x128xi32, #tpu.memory_space<vmem>>, vector<1x16xi32>,
        %swap3A_77 = vector.shape_cast %swap3A_76 : vector<1x16xi32> to vector<16xi32>
        %swap3A_78 = vector.shape_cast %add3A_73 : vector<16xi32> to vector<1x16xi32>
        tpu.vector_store %arg7[%swap3A_74, %swap3A_75], %swap3A_78 {strides = array<i32>} : memref<79x128xi32, #tpu.memory_space<vmem>>, vector<1x16xi32>,
        %get3A_79 = arith.index_cast %scan3A_57 : i32 to index
        %get3A_80 = arith.constant 32 : index
        %get3A_81 = tpu.vector_load %arg7[%get3A_79, %get3A_80] {strides = array<i32>} : memref<79x128xi32, #tpu.memory_space<vmem>>, vector<1x16xi32>,
        %get3A_82 = vector.shape_cast %get3A_81 : vector<1x16xi32> to vector<16xi32>
        %add3A_83 = arith.constant 10000 : i32
        %add3A_84 = vector.broadcast %add3A_83 : i32 to vector<16xi32>
        %add3A_85 = arith.addi %get3A_82, %add3A_84 : vector<16xi32>
        %swap3A_86 = arith.index_cast %scan3A_57 : i32 to index
        %swap3A_87 = arith.constant 32 : index
        %swap3A_88 = tpu.vector_load %arg7[%swap3A_86, %swap3A_87] {strides = array<i32>} : memref<79x128xi32, #tpu.memory_space<vmem>>, vector<1x16xi32>,
        %swap3A_89 = vector.shape_cast %swap3A_88 : vector<1x16xi32> to vector<16xi32>
        %swap3A_90 = vector.shape_cast %add3A_85 : vector<16xi32> to vector<1x16xi32>
        tpu.vector_store %arg7[%swap3A_86, %swap3A_87], %swap3A_90 {strides = array<i32>} : memref<79x128xi32, #tpu.memory_space<vmem>>, vector<1x16xi32>,
        %get3A_91 = arith.index_cast %scan3A_57 : i32 to index
        %get3A_92 = arith.constant 48 : index
        %get3A_93 = tpu.vector_load %arg7[%get3A_91, %get3A_92] {strides = array<i32>} : memref<79x128xi32, #tpu.memory_space<vmem>>, vector<1x16xi32>,
        %get3A_94 = vector.shape_cast %get3A_93 : vector<1x16xi32> to vector<16xi32>
        %add3A_95 = arith.constant 10000 : i32
        %add3A_96 = vector.broadcast %add3A_95 : i32 to vector<16xi32>
        %add3A_97 = arith.addi %get3A_94, %add3A_96 : vector<16xi32>
        %swap3A_98 = arith.index_cast %scan3A_57 : i32 to index
        %swap3A_99 = arith.constant 48 : index
        %swap3A_100 = tpu.vector_load %arg7[%swap3A_98, %swap3A_99] {strides = array<i32>} : memref<79x128xi32, #tpu.memory_space<vmem>>, vector<1x16xi32>,
        %swap3A_101 = vector.shape_cast %swap3A_100 : vector<1x16xi32> to vector<16xi32>
        %swap3A_102 = vector.shape_cast %add3A_97 : vector<16xi32> to vector<1x16xi32>
        tpu.vector_store %arg7[%swap3A_98, %swap3A_99], %swap3A_102 {strides = array<i32>} : memref<79x128xi32, #tpu.memory_space<vmem>>, vector<1x16xi32>,
        %get3A_103 = arith.index_cast %scan3A_57 : i32 to index
        %get3A_104 = arith.constant 64 : index
        %get3A_105 = tpu.vector_load %arg7[%get3A_103, %get3A_104] {strides = array<i32>} : memref<79x128xi32, #tpu.memory_space<vmem>>, vector<1x16xi32>,
        %get3A_106 = vector.shape_cast %get3A_105 : vector<1x16xi32> to vector<16xi32>
        %add3A_107 = arith.constant 10000 : i32
        %add3A_108 = vector.broadcast %add3A_107 : i32 to vector<16xi32>
        %add3A_109 = arith.addi %get3A_106, %add3A_108 : vector<16xi32>
        %swap3A_110 = arith.index_cast %scan3A_57 : i32 to index
        %swap3A_111 = arith.constant 64 : index
        %swap3A_112 = tpu.vector_load %arg7[%swap3A_110, %swap3A_111] {strides = array<i32>} : memref<79x128xi32, #tpu.memory_space<vmem>>, vector<1x16xi32>,
        %swap3A_113 = vector.shape_cast %swap3A_112 : vector<1x16xi32> to vector<16xi32>
        %swap3A_114 = vector.shape_cast %add3A_109 : vector<16xi32> to vector<1x16xi32>
        tpu.vector_store %arg7[%swap3A_110, %swap3A_111], %swap3A_114 {strides = array<i32>} : memref<79x128xi32, #tpu.memory_space<vmem>>, vector<1x16xi32>,
        %get3A_115 = arith.index_cast %scan3A_57 : i32 to index
        %get3A_116 = arith.constant 80 : index
        %get3A_117 = tpu.vector_load %arg7[%get3A_115, %get3A_116] {strides = array<i32>} : memref<79x128xi32, #tpu.memory_space<vmem>>, vector<1x16xi32>,
        %get3A_118 = vector.shape_cast %get3A_117 : vector<1x16xi32> to vector<16xi32>
        %add3A_119 = arith.constant 10000 : i32
        %add3A_120 = vector.broadcast %add3A_119 : i32 to vector<16xi32>
        %add3A_121 = arith.addi %get3A_118, %add3A_120 : vector<16xi32>
        %swap3A_122 = arith.index_cast %scan3A_57 : i32 to index
        %swap3A_123 = arith.constant 80 : index
        %swap3A_124 = tpu.vector_load %arg7[%swap3A_122, %swap3A_123] {strides = array<i32>} : memref<79x128xi32, #tpu.memory_space<vmem>>, vector<1x16xi32>,
        %swap3A_125 = vector.shape_cast %swap3A_124 : vector<1x16xi32> to vector<16xi32>
        %swap3A_126 = vector.shape_cast %add3A_121 : vector<16xi32> to vector<1x16xi32>
        tpu.vector_store %arg7[%swap3A_122, %swap3A_123], %swap3A_126 {strides = array<i32>} : memref<79x128xi32, #tpu.memory_space<vmem>>, vector<1x16xi32>,
        %get3A_127 = arith.index_cast %scan3A_57 : i32 to index
        %get3A_128 = arith.constant 96 : index
        %get3A_129 = tpu.vector_load %arg7[%get3A_127, %get3A_128] {strides = array<i32>} : memref<79x128xi32, #tpu.memory_space<vmem>>, vector<1x16xi32>,
        %get3A_130 = vector.shape_cast %get3A_129 : vector<1x16xi32> to vector<16xi32>
        %add3A_131 = arith.constant 10000 : i32
        %add3A_132 = vector.broadcast %add3A_131 : i32 to vector<16xi32>
        %add3A_133 = arith.addi %get3A_130, %add3A_132 : vector<16xi32>
        %swap3A_134 = arith.index_cast %scan3A_57 : i32 to index
        %swap3A_135 = arith.constant 96 : index
        %swap3A_136 = tpu.vector_load %arg7[%swap3A_134, %swap3A_135] {strides = array<i32>} : memref<79x128xi32, #tpu.memory_space<vmem>>, vector<1x16xi32>,
        %swap3A_137 = vector.shape_cast %swap3A_136 : vector<1x16xi32> to vector<16xi32>
        %swap3A_138 = vector.shape_cast %add3A_133 : vector<16xi32> to vector<1x16xi32>
        tpu.vector_store %arg7[%swap3A_134, %swap3A_135], %swap3A_138 {strides = array<i32>} : memref<79x128xi32, #tpu.memory_space<vmem>>, vector<1x16xi32>,
        %get3A_139 = arith.index_cast %scan3A_57 : i32 to index
        %get3A_140 = arith.constant 112 : index
        %get3A_141 = tpu.vector_load %arg7[%get3A_139, %get3A_140] {strides = array<i32>} : memref<79x128xi32, #tpu.memory_space<vmem>>, vector<1x16xi32>,
        %get3A_142 = vector.shape_cast %get3A_141 : vector<1x16xi32> to vector<16xi32>
        %add3A_143 = arith.constant 10000 : i32
        %add3A_144 = vector.broadcast %add3A_143 : i32 to vector<16xi32>
        %add3A_145 = arith.addi %get3A_142, %add3A_144 : vector<16xi32>
        %swap3A_146 = arith.index_cast %scan3A_57 : i32 to index
        %swap3A_147 = arith.constant 112 : index
        %swap3A_148 = tpu.vector_load %arg7[%swap3A_146, %swap3A_147] {strides = array<i32>} : memref<79x128xi32, #tpu.memory_space<vmem>>, vector<1x16xi32>,
        %swap3A_149 = vector.shape_cast %swap3A_148 : vector<1x16xi32> to vector<16xi32>
        %swap3A_150 = vector.shape_cast %add3A_145 : vector<16xi32> to vector<1x16xi32>
        tpu.vector_store %arg7[%swap3A_146, %swap3A_147], %swap3A_150 {strides = array<i32>} : memref<79x128xi32, #tpu.memory_space<vmem>>, vector<1x16xi32>,
      }
      %scan3A_56 = arith.constant 79 : i32
    } else {
    }
    %dma_start3A = arith.constant 0 : i32
    %dma_start3A_2 = arith.constant 0 : i32
    %dma_start3A_3 = arith.constant 0 : i32
    %dma_start3A_4 = tpu.memref_slice %arg4[%arg1, %dma_start3A, %dma_start3A_2, %dma_start3A_3] : memref<16x79x1x128xi32, #tpu.memory_space<hbm>> -> memref<1x1x1x128xi32, #tpu.memory_space<hbm>>
    %dma_start3A_5 = tpu.memref_squeeze %dma_start3A_4 : memref<1x1x1x128xi32, #tpu.memory_space<hbm>> -> memref<1x128xi32, #tpu.memory_space<hbm>>
    %dma_start3A_6 = arith.constant 0 : i32
    %dma_start3A_7 = arith.constant 0 : i32
    %dma_start3A_8 = tpu.memref_slice %arg4[%arg1, %dma_start3A, %dma_start3A_6, %dma_start3A_7] : memref<16x79x1x128xi32, #tpu.memory_space<hbm>> -> memref<1x1x1x128xi32, #tpu.memory_space<hbm>>
    %dma_start3A_9 = tpu.memref_squeeze %dma_start3A_8 : memref<1x1x1x128xi32, #tpu.memory_space<hbm>> -> memref<1x128xi32, #tpu.memory_space<hbm>>
    tpu.enqueue_dma source(%dma_start3A_9 : memref<1x128xi32, #tpu.memory_space<hbm>>) target(%arg8 : memref<1x128xi32, #tpu.memory_space<vmem>>) target_semaphore(%arg15 : memref<!tpu.dma_semaphore, #tpu.memory_space<semaphore_mem>>)
    %dma_start3A_10 = arith.constant 0 : i32
    %dma_start3A_11 = arith.constant 0 : i32
    %dma_start3A_12 = tpu.memref_slice %arg7[%dma_start3A_10, %dma_start3A_11] : memref<79x128xi32, #tpu.memory_space<vmem>> -> memref<1x128xi32, #tpu.memory_space<vmem>>
    %dma_start3A_13 = tpu.memref_squeeze %dma_start3A_12 : memref<1x128xi32, #tpu.memory_space<vmem>> -> memref<128xi32, #tpu.memory_space<vmem>>
    %dma_start3A_14 = arith.constant 0 : i32
    %dma_start3A_15 = arith.constant 0 : i32
    %dma_start3A_16 = tpu.memref_slice %arg2[%dma_start3A_14, %dma_start3A_15] : memref<20000x128xf32, #tpu.memory_space<hbm>> -> memref<20000x128xf32, #tpu.memory_space<hbm>>
    tpu.enqueue_indirect_dma source(%dma_start3A_16 : memref<20000x128xf32, #tpu.memory_space<hbm>>) target(%arg10 : memref<128x128xf32, #tpu.memory_space<vmem>>) offsets(%dma_start3A_13 : memref<128xi32, #tpu.memory_space<vmem>>) semaphore(%arg13 : memref<!tpu.dma_semaphore, #tpu.memory_space<semaphore_mem>>)
    %mul3A = arith.constant 632 : i32
    %mul3A_17 = arith.muli %arg1, %mul3A : i32
    "tpu.region"() ({
      %run_scoped3A = tpu.sem_alloc : memref<!tpu.dma_semaphore, #tpu.memory_space<semaphore_mem>>
      %dma_start3A_51 = arith.constant 0 : i32
      %dma_start3A_52 = tpu.memref_slice %arg12[%mul3A_17, %dma_start3A_51] : memref<10112x128xf32, #tpu.memory_space<vmem_shared>> -> memref<632x128xf32, #tpu.memory_space<vmem_shared>>
      %dma_start3A_53 = arith.constant 0 : i32
      %dma_start3A_54 = tpu.memref_slice %arg5[%mul3A_17, %dma_start3A_53] : memref<10112x128xf32, #tpu.memory_space<hbm>> -> memref<632x128xf32, #tpu.memory_space<hbm>>
      tpu.enqueue_dma source(%dma_start3A_54 : memref<632x128xf32, #tpu.memory_space<hbm>>) target(%dma_start3A_52 : memref<632x128xf32, #tpu.memory_space<vmem_shared>>) target_semaphore(%run_scoped3A : memref<!tpu.dma_semaphore, #tpu.memory_space<semaphore_mem>>)
      %dma_wait3A_55 = arith.constant 0 : i32
      %dma_wait3A_56 = tpu.memref_slice %arg12[%mul3A_17, %dma_wait3A_55] : memref<10112x128xf32, #tpu.memory_space<vmem_shared>> -> memref<632x128xf32, #tpu.memory_space<vmem_shared>>
      %dma_wait3A_57 = arith.constant 0 : i32
      %dma_wait3A_58 = tpu.memref_slice %arg5[%mul3A_17, %dma_wait3A_57] : memref<10112x128xf32, #tpu.memory_space<hbm>> -> memref<632x128xf32, #tpu.memory_space<hbm>>
      tpu.wait_dma2 semaphore(%run_scoped3A : memref<!tpu.dma_semaphore, #tpu.memory_space<semaphore_mem>>) src(%dma_wait3A_58 : memref<632x128xf32, #tpu.memory_space<hbm>>) dst(%dma_wait3A_56 : memref<632x128xf32, #tpu.memory_space<vmem_shared>>)
      tpu.yield
    }) : () -> ()
    %barrier3A = arith.constant 0 : index
    tpu.barrier barrier_id(%barrier3A)
    %rem3A = arith.constant 2 : i32
    %rem3A_18 = arith.remsi %arg1, %rem3A : i32
    %scan3A = arith.constant 0 : i32
    %scan3A_19 = arith.constant 0 : i32
    %scan3A_20 = arith.constant 39 : i32
    %scan3A_21 = arith.addi %scan3A_19, %scan3A_20 : i32
    %scan3A_22 = arith.constant 1 : i32
    scf.for %scan3A_51 = %scan3A_19 to %scan3A_21 step %scan3A_22  : i32 {
      %mul3A_52 = arith.constant 2 : i32
      %mul3A_53 = arith.muli %mul3A_52, %scan3A_51 : i32
      %add3A = arith.constant 1 : i32
      %add3A_54 = arith.addi %mul3A_53, %add3A : i32
      %dma_start3A_55 = arith.constant 0 : i32
      %dma_start3A_56 = arith.constant 0 : i32
      %dma_start3A_57 = tpu.memref_slice %arg4[%arg1, %add3A_54, %dma_start3A_55, %dma_start3A_56] : memref<16x79x1x128xi32, #tpu.memory_space<hbm>> -> memref<1x1x1x128xi32, #tpu.memory_space<hbm>>
      %dma_start3A_58 = tpu.memref_squeeze %dma_start3A_57 : memref<1x1x1x128xi32, #tpu.memory_space<hbm>> -> memref<1x128xi32, #tpu.memory_space<hbm>>
      %dma_start3A_59 = arith.constant 0 : i32
      %dma_start3A_60 = arith.constant 0 : i32
      %dma_start3A_61 = tpu.memref_slice %arg4[%arg1, %add3A_54, %dma_start3A_59, %dma_start3A_60] : memref<16x79x1x128xi32, #tpu.memory_space<hbm>> -> memref<1x1x1x128xi32, #tpu.memory_space<hbm>>
      %dma_start3A_62 = tpu.memref_squeeze %dma_start3A_61 : memref<1x1x1x128xi32, #tpu.memory_space<hbm>> -> memref<1x128xi32, #tpu.memory_space<hbm>>
      tpu.enqueue_dma source(%dma_start3A_62 : memref<1x128xi32, #tpu.memory_space<hbm>>) target(%arg9 : memref<1x128xi32, #tpu.memory_space<vmem>>) target_semaphore(%arg16 : memref<!tpu.dma_semaphore, #tpu.memory_space<semaphore_mem>>)
      %add3A_63 = arith.constant 1 : i32
      %add3A_64 = arith.addi %mul3A_53, %add3A_63 : i32
      %dma_start3A_65 = arith.constant 0 : i32
      %dma_start3A_66 = tpu.memref_slice %arg7[%add3A_64, %dma_start3A_65] : memref<79x128xi32, #tpu.memory_space<vmem>> -> memref<1x128xi32, #tpu.memory_space<vmem>>
      %dma_start3A_67 = tpu.memref_squeeze %dma_start3A_66 : memref<1x128xi32, #tpu.memory_space<vmem>> -> memref<128xi32, #tpu.memory_space<vmem>>
      %dma_start3A_68 = arith.constant 0 : i32
      %dma_start3A_69 = arith.constant 0 : i32
      %dma_start3A_70 = tpu.memref_slice %arg2[%dma_start3A_68, %dma_start3A_69] : memref<20000x128xf32, #tpu.memory_space<hbm>> -> memref<20000x128xf32, #tpu.memory_space<hbm>>
      tpu.enqueue_indirect_dma source(%dma_start3A_70 : memref<20000x128xf32, #tpu.memory_space<hbm>>) target(%arg11 : memref<128x128xf32, #tpu.memory_space<vmem>>) offsets(%dma_start3A_67 : memref<128xi32, #tpu.memory_space<vmem>>) semaphore(%arg14 : memref<!tpu.dma_semaphore, #tpu.memory_space<semaphore_mem>>)
      %dma_wait3A_71 = arith.constant 0 : i32
      %dma_wait3A_72 = tpu.memref_slice %arg7[%mul3A_53, %dma_wait3A_71] : memref<79x128xi32, #tpu.memory_space<vmem>> -> memref<1x128xi32, #tpu.memory_space<vmem>>
      %dma_wait3A_73 = tpu.memref_squeeze %dma_wait3A_72 : memref<1x128xi32, #tpu.memory_space<vmem>> -> memref<128xi32, #tpu.memory_space<vmem>>
      %dma_wait3A_74 = arith.constant 0 : i32
      %dma_wait3A_75 = arith.constant 0 : i32
      %dma_wait3A_76 = tpu.memref_slice %arg2[%dma_wait3A_74, %dma_wait3A_75] : memref<20000x128xf32, #tpu.memory_space<hbm>> -> memref<20000x128xf32, #tpu.memory_space<hbm>>
      tpu.wait_indirect_dma semaphore(%arg13 : memref<!tpu.dma_semaphore, #tpu.memory_space<semaphore_mem>>) src(%dma_wait3A_76 : memref<20000x128xf32, #tpu.memory_space<hbm>>) dst(%arg10 : memref<128x128xf32, #tpu.memory_space<vmem>>)
      %dma_wait3A_77 = arith.constant 0 : i32
      %dma_wait3A_78 = arith.constant 0 : i32
      %dma_wait3A_79 = tpu.memref_slice %arg4[%arg1, %mul3A_53, %dma_wait3A_77, %dma_wait3A_78] : memref<16x79x1x128xi32, #tpu.memory_space<hbm>> -> memref<1x1x1x128xi32, #tpu.memory_space<hbm>>
      %dma_wait3A_80 = tpu.memref_squeeze %dma_wait3A_79 : memref<1x1x1x128xi32, #tpu.memory_space<hbm>> -> memref<1x128xi32, #tpu.memory_space<hbm>>
      %dma_wait3A_81 = arith.constant 0 : i32
      %dma_wait3A_82 = arith.constant 0 : i32
      %dma_wait3A_83 = tpu.memref_slice %arg4[%arg1, %mul3A_53, %dma_wait3A_81, %dma_wait3A_82] : memref<16x79x1x128xi32, #tpu.memory_space<hbm>> -> memref<1x1x1x128xi32, #tpu.memory_space<hbm>>
      %dma_wait3A_84 = tpu.memref_squeeze %dma_wait3A_83 : memref<1x1x1x128xi32, #tpu.memory_space<hbm>> -> memref<1x128xi32, #tpu.memory_space<hbm>>
      tpu.wait_dma2 semaphore(%arg15 : memref<!tpu.dma_semaphore, #tpu.memory_space<semaphore_mem>>) src(%dma_wait3A_84 : memref<1x128xi32, #tpu.memory_space<hbm>>) dst(%arg8 : memref<1x128xi32, #tpu.memory_space<vmem>>)
      %eq3A_85 = arith.constant 0 : i32
      %eq3A_86 = arith.cmpi eq, %rem3A_18, %eq3A_85 : i32
      %convert_element_type3A_87 = arith.extui %eq3A_86 : i1 to i32
      %cond3A_88 = arith.constant 0 : i32
      %cond3A_89 = arith.cmpi ne, %convert_element_type3A_87, %cond3A_88 : i32
      scf.if %cond3A_89 {
        %run_scoped3A = arith.constant 0 : i32
        "tpu.region"() ({
          %run_scoped3A_143 = tpu.sem_alloc : memref<!tpu.dma_semaphore, #tpu.memory_space<semaphore_mem>>
          %dma_start3A_144 = arith.constant 0 : i32
          %dma_start3A_145 = tpu.memref_slice %arg8[%run_scoped3A, %dma_start3A_144] : memref<1x128xi32, #tpu.memory_space<vmem>> -> memref<1x128xi32, #tpu.memory_space<vmem>>
          %dma_start3A_146 = tpu.memref_squeeze %dma_start3A_145 : memref<1x128xi32, #tpu.memory_space<vmem>> -> memref<128xi32, #tpu.memory_space<vmem>>
          %dma_start3A_147 = arith.constant 0 : i32
          %dma_start3A_148 = arith.constant 0 : i32
          %dma_start3A_149 = tpu.memref_slice %arg12[%dma_start3A_147, %dma_start3A_148] : memref<10112x128xf32, #tpu.memory_space<vmem_shared>> -> memref<10112x128xf32, #tpu.memory_space<vmem_shared>>
          tpu.enqueue_indirect_dma source(%arg10 : memref<128x128xf32, #tpu.memory_space<vmem>>) target(%dma_start3A_149 : memref<10112x128xf32, #tpu.memory_space<vmem_shared>>) offsets(%dma_start3A_146 : memref<128xi32, #tpu.memory_space<vmem>>) semaphore(%run_scoped3A_143 : memref<!tpu.dma_semaphore, #tpu.memory_space<semaphore_mem>>) {add = true}
          %dma_wait3A_150 = arith.constant 0 : i32
          %dma_wait3A_151 = tpu.memref_slice %arg8[%run_scoped3A, %dma_wait3A_150] : memref<1x128xi32, #tpu.memory_space<vmem>> -> memref<1x128xi32, #tpu.memory_space<vmem>>
          %dma_wait3A_152 = tpu.memref_squeeze %dma_wait3A_151 : memref<1x128xi32, #tpu.memory_space<vmem>> -> memref<128xi32, #tpu.memory_space<vmem>>
          %dma_wait3A_153 = arith.constant 0 : i32
          %dma_wait3A_154 = arith.constant 0 : i32
          %dma_wait3A_155 = tpu.memref_slice %arg12[%dma_wait3A_153, %dma_wait3A_154] : memref<10112x128xf32, #tpu.memory_space<vmem_shared>> -> memref<10112x128xf32, #tpu.memory_space<vmem_shared>>
          tpu.wait_indirect_dma semaphore(%run_scoped3A_143 : memref<!tpu.dma_semaphore, #tpu.memory_space<semaphore_mem>>) src(%arg10 : memref<128x128xf32, #tpu.memory_space<vmem>>) dst(%dma_wait3A_155 : memref<10112x128xf32, #tpu.memory_space<vmem_shared>>)
          tpu.yield
        }) : () -> ()
      } else {
      }
      %barrier3A_90 = arith.constant 0 : index
      tpu.barrier barrier_id(%barrier3A_90)
      %eq3A_91 = arith.constant 1 : i32
      %eq3A_92 = arith.cmpi eq, %rem3A_18, %eq3A_91 : i32
      %convert_element_type3A_93 = arith.extui %eq3A_92 : i1 to i32
      %cond3A_94 = arith.constant 0 : i32
      %cond3A_95 = arith.cmpi ne, %convert_element_type3A_93, %cond3A_94 : i32
      scf.if %cond3A_95 {
        %run_scoped3A = arith.constant 0 : i32
        "tpu.region"() ({
          %run_scoped3A_143 = tpu.sem_alloc : memref<!tpu.dma_semaphore, #tpu.memory_space<semaphore_mem>>
          %dma_start3A_144 = arith.constant 0 : i32
          %dma_start3A_145 = tpu.memref_slice %arg8[%run_scoped3A, %dma_start3A_144] : memref<1x128xi32, #tpu.memory_space<vmem>> -> memref<1x128xi32, #tpu.memory_space<vmem>>
          %dma_start3A_146 = tpu.memref_squeeze %dma_start3A_145 : memref<1x128xi32, #tpu.memory_space<vmem>> -> memref<128xi32, #tpu.memory_space<vmem>>
          %dma_start3A_147 = arith.constant 0 : i32
          %dma_start3A_148 = arith.constant 0 : i32
          %dma_start3A_149 = tpu.memref_slice %arg12[%dma_start3A_147, %dma_start3A_148] : memref<10112x128xf32, #tpu.memory_space<vmem_shared>> -> memref<10112x128xf32, #tpu.memory_space<vmem_shared>>
          tpu.enqueue_indirect_dma source(%arg10 : memref<128x128xf32, #tpu.memory_space<vmem>>) target(%dma_start3A_149 : memref<10112x128xf32, #tpu.memory_space<vmem_shared>>) offsets(%dma_start3A_146 : memref<128xi32, #tpu.memory_space<vmem>>) semaphore(%run_scoped3A_143 : memref<!tpu.dma_semaphore, #tpu.memory_space<semaphore_mem>>) {add = true}
          %dma_wait3A_150 = arith.constant 0 : i32
          %dma_wait3A_151 = tpu.memref_slice %arg8[%run_scoped3A, %dma_wait3A_150] : memref<1x128xi32, #tpu.memory_space<vmem>> -> memref<1x128xi32, #tpu.memory_space<vmem>>
          %dma_wait3A_152 = tpu.memref_squeeze %dma_wait3A_151 : memref<1x128xi32, #tpu.memory_space<vmem>> -> memref<128xi32, #tpu.memory_space<vmem>>
          %dma_wait3A_153 = arith.constant 0 : i32
          %dma_wait3A_154 = arith.constant 0 : i32
          %dma_wait3A_155 = tpu.memref_slice %arg12[%dma_wait3A_153, %dma_wait3A_154] : memref<10112x128xf32, #tpu.memory_space<vmem_shared>> -> memref<10112x128xf32, #tpu.memory_space<vmem_shared>>
          tpu.wait_indirect_dma semaphore(%run_scoped3A_143 : memref<!tpu.dma_semaphore, #tpu.memory_space<semaphore_mem>>) src(%arg10 : memref<128x128xf32, #tpu.memory_space<vmem>>) dst(%dma_wait3A_155 : memref<10112x128xf32, #tpu.memory_space<vmem_shared>>)
          tpu.yield
        }) : () -> ()
      } else {
      }
      %add3A_96 = arith.constant 2 : i32
      %add3A_97 = arith.addi %mul3A_53, %add3A_96 : i32
      %dma_start3A_98 = arith.constant 0 : i32
      %dma_start3A_99 = arith.constant 0 : i32
      %dma_start3A_100 = tpu.memref_slice %arg4[%arg1, %add3A_97, %dma_start3A_98, %dma_start3A_99] : memref<16x79x1x128xi32, #tpu.memory_space<hbm>> -> memref<1x1x1x128xi32, #tpu.memory_space<hbm>>
      %dma_start3A_101 = tpu.memref_squeeze %dma_start3A_100 : memref<1x1x1x128xi32, #tpu.memory_space<hbm>> -> memref<1x128xi32, #tpu.memory_space<hbm>>
      %dma_start3A_102 = arith.constant 0 : i32
      %dma_start3A_103 = arith.constant 0 : i32
      %dma_start3A_104 = tpu.memref_slice %arg4[%arg1, %add3A_97, %dma_start3A_102, %dma_start3A_103] : memref<16x79x1x128xi32, #tpu.memory_space<hbm>> -> memref<1x1x1x128xi32, #tpu.memory_space<hbm>>
      %dma_start3A_105 = tpu.memref_squeeze %dma_start3A_104 : memref<1x1x1x128xi32, #tpu.memory_space<hbm>> -> memref<1x128xi32, #tpu.memory_space<hbm>>
      tpu.enqueue_dma source(%dma_start3A_105 : memref<1x128xi32, #tpu.memory_space<hbm>>) target(%arg8 : memref<1x128xi32, #tpu.memory_space<vmem>>) target_semaphore(%arg15 : memref<!tpu.dma_semaphore, #tpu.memory_space<semaphore_mem>>)
      %add3A_106 = arith.constant 2 : i32
      %add3A_107 = arith.addi %mul3A_53, %add3A_106 : i32
      %dma_start3A_108 = arith.constant 0 : i32
      %dma_start3A_109 = tpu.memref_slice %arg7[%add3A_107, %dma_start3A_108] : memref<79x128xi32, #tpu.memory_space<vmem>> -> memref<1x128xi32, #tpu.memory_space<vmem>>
      %dma_start3A_110 = tpu.memref_squeeze %dma_start3A_109 : memref<1x128xi32, #tpu.memory_space<vmem>> -> memref<128xi32, #tpu.memory_space<vmem>>
      %dma_start3A_111 = arith.constant 0 : i32
      %dma_start3A_112 = arith.constant 0 : i32
      %dma_start3A_113 = tpu.memref_slice %arg2[%dma_start3A_111, %dma_start3A_112] : memref<20000x128xf32, #tpu.memory_space<hbm>> -> memref<20000x128xf32, #tpu.memory_space<hbm>>
      tpu.enqueue_indirect_dma source(%dma_start3A_113 : memref<20000x128xf32, #tpu.memory_space<hbm>>) target(%arg10 : memref<128x128xf32, #tpu.memory_space<vmem>>) offsets(%dma_start3A_110 : memref<128xi32, #tpu.memory_space<vmem>>) semaphore(%arg13 : memref<!tpu.dma_semaphore, #tpu.memory_space<semaphore_mem>>)
      %add3A_114 = arith.constant 1 : i32
      %add3A_115 = arith.addi %mul3A_53, %add3A_114 : i32
      %dma_wait3A_116 = arith.constant 0 : i32
      %dma_wait3A_117 = tpu.memref_slice %arg7[%add3A_115, %dma_wait3A_116] : memref<79x128xi32, #tpu.memory_space<vmem>> -> memref<1x128xi32, #tpu.memory_space<vmem>>
      %dma_wait3A_118 = tpu.memref_squeeze %dma_wait3A_117 : memref<1x128xi32, #tpu.memory_space<vmem>> -> memref<128xi32, #tpu.memory_space<vmem>>
      %dma_wait3A_119 = arith.constant 0 : i32
      %dma_wait3A_120 = arith.constant 0 : i32
      %dma_wait3A_121 = tpu.memref_slice %arg2[%dma_wait3A_119, %dma_wait3A_120] : memref<20000x128xf32, #tpu.memory_space<hbm>> -> memref<20000x128xf32, #tpu.memory_space<hbm>>
      tpu.wait_indirect_dma semaphore(%arg14 : memref<!tpu.dma_semaphore, #tpu.memory_space<semaphore_mem>>) src(%dma_wait3A_121 : memref<20000x128xf32, #tpu.memory_space<hbm>>) dst(%arg11 : memref<128x128xf32, #tpu.memory_space<vmem>>)
      %add3A_122 = arith.constant 1 : i32
      %add3A_123 = arith.addi %mul3A_53, %add3A_122 : i32
      %dma_wait3A_124 = arith.constant 0 : i32
      %dma_wait3A_125 = arith.constant 0 : i32
      %dma_wait3A_126 = tpu.memref_slice %arg4[%arg1, %add3A_123, %dma_wait3A_124, %dma_wait3A_125] : memref<16x79x1x128xi32, #tpu.memory_space<hbm>> -> memref<1x1x1x128xi32, #tpu.memory_space<hbm>>
      %dma_wait3A_127 = tpu.memref_squeeze %dma_wait3A_126 : memref<1x1x1x128xi32, #tpu.memory_space<hbm>> -> memref<1x128xi32, #tpu.memory_space<hbm>>
      %dma_wait3A_128 = arith.constant 0 : i32
      %dma_wait3A_129 = arith.constant 0 : i32
      %dma_wait3A_130 = tpu.memref_slice %arg4[%arg1, %add3A_123, %dma_wait3A_128, %dma_wait3A_129] : memref<16x79x1x128xi32, #tpu.memory_space<hbm>> -> memref<1x1x1x128xi32, #tpu.memory_space<hbm>>
      %dma_wait3A_131 = tpu.memref_squeeze %dma_wait3A_130 : memref<1x1x1x128xi32, #tpu.memory_space<hbm>> -> memref<1x128xi32, #tpu.memory_space<hbm>>
      tpu.wait_dma2 semaphore(%arg16 : memref<!tpu.dma_semaphore, #tpu.memory_space<semaphore_mem>>) src(%dma_wait3A_131 : memref<1x128xi32, #tpu.memory_space<hbm>>) dst(%arg9 : memref<1x128xi32, #tpu.memory_space<vmem>>)
      %eq3A_132 = arith.constant 1 : i32
      %eq3A_133 = arith.cmpi eq, %rem3A_18, %eq3A_132 : i32
      %convert_element_type3A_134 = arith.extui %eq3A_133 : i1 to i32
      %cond3A_135 = arith.constant 0 : i32
      %cond3A_136 = arith.cmpi ne, %convert_element_type3A_134, %cond3A_135 : i32
      scf.if %cond3A_136 {
        %run_scoped3A = arith.constant 0 : i32
        "tpu.region"() ({
          %run_scoped3A_143 = tpu.sem_alloc : memref<!tpu.dma_semaphore, #tpu.memory_space<semaphore_mem>>
          %dma_start3A_144 = arith.constant 0 : i32
          %dma_start3A_145 = tpu.memref_slice %arg9[%run_scoped3A, %dma_start3A_144] : memref<1x128xi32, #tpu.memory_space<vmem>> -> memref<1x128xi32, #tpu.memory_space<vmem>>
          %dma_start3A_146 = tpu.memref_squeeze %dma_start3A_145 : memref<1x128xi32, #tpu.memory_space<vmem>> -> memref<128xi32, #tpu.memory_space<vmem>>
          %dma_start3A_147 = arith.constant 0 : i32
          %dma_start3A_148 = arith.constant 0 : i32
          %dma_start3A_149 = tpu.memref_slice %arg12[%dma_start3A_147, %dma_start3A_148] : memref<10112x128xf32, #tpu.memory_space<vmem_shared>> -> memref<10112x128xf32, #tpu.memory_space<vmem_shared>>
          tpu.enqueue_indirect_dma source(%arg11 : memref<128x128xf32, #tpu.memory_space<vmem>>) target(%dma_start3A_149 : memref<10112x128xf32, #tpu.memory_space<vmem_shared>>) offsets(%dma_start3A_146 : memref<128xi32, #tpu.memory_space<vmem>>) semaphore(%run_scoped3A_143 : memref<!tpu.dma_semaphore, #tpu.memory_space<semaphore_mem>>) {add = true}
          %dma_wait3A_150 = arith.constant 0 : i32
          %dma_wait3A_151 = tpu.memref_slice %arg9[%run_scoped3A, %dma_wait3A_150] : memref<1x128xi32, #tpu.memory_space<vmem>> -> memref<1x128xi32, #tpu.memory_space<vmem>>
          %dma_wait3A_152 = tpu.memref_squeeze %dma_wait3A_151 : memref<1x128xi32, #tpu.memory_space<vmem>> -> memref<128xi32, #tpu.memory_space<vmem>>
          %dma_wait3A_153 = arith.constant 0 : i32
          %dma_wait3A_154 = arith.constant 0 : i32
          %dma_wait3A_155 = tpu.memref_slice %arg12[%dma_wait3A_153, %dma_wait3A_154] : memref<10112x128xf32, #tpu.memory_space<vmem_shared>> -> memref<10112x128xf32, #tpu.memory_space<vmem_shared>>
          tpu.wait_indirect_dma semaphore(%run_scoped3A_143 : memref<!tpu.dma_semaphore, #tpu.memory_space<semaphore_mem>>) src(%arg11 : memref<128x128xf32, #tpu.memory_space<vmem>>) dst(%dma_wait3A_155 : memref<10112x128xf32, #tpu.memory_space<vmem_shared>>)
          tpu.yield
        }) : () -> ()
      } else {
      }
      %barrier3A_137 = arith.constant 0 : index
      tpu.barrier barrier_id(%barrier3A_137)
      %eq3A_138 = arith.constant 0 : i32
      %eq3A_139 = arith.cmpi eq, %rem3A_18, %eq3A_138 : i32
      %convert_element_type3A_140 = arith.extui %eq3A_139 : i1 to i32
      %cond3A_141 = arith.constant 0 : i32
      %cond3A_142 = arith.cmpi ne, %convert_element_type3A_140, %cond3A_141 : i32
      scf.if %cond3A_142 {
        %run_scoped3A = arith.constant 0 : i32
        "tpu.region"() ({
          %run_scoped3A_143 = tpu.sem_alloc : memref<!tpu.dma_semaphore, #tpu.memory_space<semaphore_mem>>
          %dma_start3A_144 = arith.constant 0 : i32
          %dma_start3A_145 = tpu.memref_slice %arg9[%run_scoped3A, %dma_start3A_144] : memref<1x128xi32, #tpu.memory_space<vmem>> -> memref<1x128xi32, #tpu.memory_space<vmem>>
          %dma_start3A_146 = tpu.memref_squeeze %dma_start3A_145 : memref<1x128xi32, #tpu.memory_space<vmem>> -> memref<128xi32, #tpu.memory_space<vmem>>
          %dma_start3A_147 = arith.constant 0 : i32
          %dma_start3A_148 = arith.constant 0 : i32
          %dma_start3A_149 = tpu.memref_slice %arg12[%dma_start3A_147, %dma_start3A_148] : memref<10112x128xf32, #tpu.memory_space<vmem_shared>> -> memref<10112x128xf32, #tpu.memory_space<vmem_shared>>
          tpu.enqueue_indirect_dma source(%arg11 : memref<128x128xf32, #tpu.memory_space<vmem>>) target(%dma_start3A_149 : memref<10112x128xf32, #tpu.memory_space<vmem_shared>>) offsets(%dma_start3A_146 : memref<128xi32, #tpu.memory_space<vmem>>) semaphore(%run_scoped3A_143 : memref<!tpu.dma_semaphore, #tpu.memory_space<semaphore_mem>>) {add = true}
          %dma_wait3A_150 = arith.constant 0 : i32
          %dma_wait3A_151 = tpu.memref_slice %arg9[%run_scoped3A, %dma_wait3A_150] : memref<1x128xi32, #tpu.memory_space<vmem>> -> memref<1x128xi32, #tpu.memory_space<vmem>>
          %dma_wait3A_152 = tpu.memref_squeeze %dma_wait3A_151 : memref<1x128xi32, #tpu.memory_space<vmem>> -> memref<128xi32, #tpu.memory_space<vmem>>
          %dma_wait3A_153 = arith.constant 0 : i32
          %dma_wait3A_154 = arith.constant 0 : i32
          %dma_wait3A_155 = tpu.memref_slice %arg12[%dma_wait3A_153, %dma_wait3A_154] : memref<10112x128xf32, #tpu.memory_space<vmem_shared>> -> memref<10112x128xf32, #tpu.memory_space<vmem_shared>>
          tpu.wait_indirect_dma semaphore(%run_scoped3A_143 : memref<!tpu.dma_semaphore, #tpu.memory_space<semaphore_mem>>) src(%arg11 : memref<128x128xf32, #tpu.memory_space<vmem>>) dst(%dma_wait3A_155 : memref<10112x128xf32, #tpu.memory_space<vmem_shared>>)
          tpu.yield
        }) : () -> ()
      } else {
      }
    }
    %scan3A_23 = arith.constant 39 : i32
    %dma_wait3A = arith.constant 78 : i32
    %dma_wait3A_24 = arith.constant 0 : i32
    %dma_wait3A_25 = tpu.memref_slice %arg7[%dma_wait3A, %dma_wait3A_24] : memref<79x128xi32, #tpu.memory_space<vmem>> -> memref<1x128xi32, #tpu.memory_space<vmem>>
    %dma_wait3A_26 = tpu.memref_squeeze %dma_wait3A_25 : memref<1x128xi32, #tpu.memory_space<vmem>> -> memref<128xi32, #tpu.memory_space<vmem>>
    %dma_wait3A_27 = arith.constant 0 : i32
    %dma_wait3A_28 = arith.constant 0 : i32
    %dma_wait3A_29 = tpu.memref_slice %arg2[%dma_wait3A_27, %dma_wait3A_28] : memref<20000x128xf32, #tpu.memory_space<hbm>> -> memref<20000x128xf32, #tpu.memory_space<hbm>>
    tpu.wait_indirect_dma semaphore(%arg13 : memref<!tpu.dma_semaphore, #tpu.memory_space<semaphore_mem>>) src(%dma_wait3A_29 : memref<20000x128xf32, #tpu.memory_space<hbm>>) dst(%arg10 : memref<128x128xf32, #tpu.memory_space<vmem>>)
    %dma_wait3A_30 = arith.constant 78 : i32
    %dma_wait3A_31 = arith.constant 0 : i32
    %dma_wait3A_32 = arith.constant 0 : i32
    %dma_wait3A_33 = tpu.memref_slice %arg4[%arg1, %dma_wait3A_30, %dma_wait3A_31, %dma_wait3A_32] : memref<16x79x1x128xi32, #tpu.memory_space<hbm>> -> memref<1x1x1x128xi32, #tpu.memory_space<hbm>>
    %dma_wait3A_34 = tpu.memref_squeeze %dma_wait3A_33 : memref<1x1x1x128xi32, #tpu.memory_space<hbm>> -> memref<1x128xi32, #tpu.memory_space<hbm>>
    %dma_wait3A_35 = arith.constant 0 : i32
    %dma_wait3A_36 = arith.constant 0 : i32
    %dma_wait3A_37 = tpu.memref_slice %arg4[%arg1, %dma_wait3A_30, %dma_wait3A_35, %dma_wait3A_36] : memref<16x79x1x128xi32, #tpu.memory_space<hbm>> -> memref<1x1x1x128xi32, #tpu.memory_space<hbm>>
    %dma_wait3A_38 = tpu.memref_squeeze %dma_wait3A_37 : memref<1x1x1x128xi32, #tpu.memory_space<hbm>> -> memref<1x128xi32, #tpu.memory_space<hbm>>
    tpu.wait_dma2 semaphore(%arg15 : memref<!tpu.dma_semaphore, #tpu.memory_space<semaphore_mem>>) src(%dma_wait3A_38 : memref<1x128xi32, #tpu.memory_space<hbm>>) dst(%arg8 : memref<1x128xi32, #tpu.memory_space<vmem>>)
    %eq3A_39 = arith.constant 0 : i32
    %eq3A_40 = arith.cmpi eq, %rem3A_18, %eq3A_39 : i32
    %convert_element_type3A_41 = arith.extui %eq3A_40 : i1 to i32
    %cond3A_42 = arith.constant 0 : i32
    %cond3A_43 = arith.cmpi ne, %convert_element_type3A_41, %cond3A_42 : i32
    scf.if %cond3A_43 {
      %run_scoped3A = arith.constant 0 : i32
      "tpu.region"() ({
        %run_scoped3A_51 = tpu.sem_alloc : memref<!tpu.dma_semaphore, #tpu.memory_space<semaphore_mem>>
        %dma_start3A_52 = arith.constant 0 : i32
        %dma_start3A_53 = tpu.memref_slice %arg8[%run_scoped3A, %dma_start3A_52] : memref<1x128xi32, #tpu.memory_space<vmem>> -> memref<1x128xi32, #tpu.memory_space<vmem>>
        %dma_start3A_54 = tpu.memref_squeeze %dma_start3A_53 : memref<1x128xi32, #tpu.memory_space<vmem>> -> memref<128xi32, #tpu.memory_space<vmem>>
        %dma_start3A_55 = arith.constant 0 : i32
        %dma_start3A_56 = arith.constant 0 : i32
        %dma_start3A_57 = tpu.memref_slice %arg12[%dma_start3A_55, %dma_start3A_56] : memref<10112x128xf32, #tpu.memory_space<vmem_shared>> -> memref<10112x128xf32, #tpu.memory_space<vmem_shared>>
        tpu.enqueue_indirect_dma source(%arg10 : memref<128x128xf32, #tpu.memory_space<vmem>>) target(%dma_start3A_57 : memref<10112x128xf32, #tpu.memory_space<vmem_shared>>) offsets(%dma_start3A_54 : memref<128xi32, #tpu.memory_space<vmem>>) semaphore(%run_scoped3A_51 : memref<!tpu.dma_semaphore, #tpu.memory_space<semaphore_mem>>) {add = true}
        %dma_wait3A_58 = arith.constant 0 : i32
        %dma_wait3A_59 = tpu.memref_slice %arg8[%run_scoped3A, %dma_wait3A_58] : memref<1x128xi32, #tpu.memory_space<vmem>> -> memref<1x128xi32, #tpu.memory_space<vmem>>
        %dma_wait3A_60 = tpu.memref_squeeze %dma_wait3A_59 : memref<1x128xi32, #tpu.memory_space<vmem>> -> memref<128xi32, #tpu.memory_space<vmem>>
        %dma_wait3A_61 = arith.constant 0 : i32
        %dma_wait3A_62 = arith.constant 0 : i32
        %dma_wait3A_63 = tpu.memref_slice %arg12[%dma_wait3A_61, %dma_wait3A_62] : memref<10112x128xf32, #tpu.memory_space<vmem_shared>> -> memref<10112x128xf32, #tpu.memory_space<vmem_shared>>
        tpu.wait_indirect_dma semaphore(%run_scoped3A_51 : memref<!tpu.dma_semaphore, #tpu.memory_space<semaphore_mem>>) src(%arg10 : memref<128x128xf32, #tpu.memory_space<vmem>>) dst(%dma_wait3A_63 : memref<10112x128xf32, #tpu.memory_space<vmem_shared>>)
        tpu.yield
      }) : () -> ()
    } else {
    }
    %barrier3A_44 = arith.constant 0 : index
    tpu.barrier barrier_id(%barrier3A_44)
    %eq3A_45 = arith.constant 1 : i32
    %eq3A_46 = arith.cmpi eq, %rem3A_18, %eq3A_45 : i32
    %convert_element_type3A_47 = arith.extui %eq3A_46 : i1 to i32
    %cond3A_48 = arith.constant 0 : i32
    %cond3A_49 = arith.cmpi ne, %convert_element_type3A_47, %cond3A_48 : i32
    scf.if %cond3A_49 {
      %run_scoped3A = arith.constant 0 : i32
      "tpu.region"() ({
        %run_scoped3A_51 = tpu.sem_alloc : memref<!tpu.dma_semaphore, #tpu.memory_space<semaphore_mem>>
        %dma_start3A_52 = arith.constant 0 : i32
        %dma_start3A_53 = tpu.memref_slice %arg8[%run_scoped3A, %dma_start3A_52] : memref<1x128xi32, #tpu.memory_space<vmem>> -> memref<1x128xi32, #tpu.memory_space<vmem>>
        %dma_start3A_54 = tpu.memref_squeeze %dma_start3A_53 : memref<1x128xi32, #tpu.memory_space<vmem>> -> memref<128xi32, #tpu.memory_space<vmem>>
        %dma_start3A_55 = arith.constant 0 : i32
        %dma_start3A_56 = arith.constant 0 : i32
        %dma_start3A_57 = tpu.memref_slice %arg12[%dma_start3A_55, %dma_start3A_56] : memref<10112x128xf32, #tpu.memory_space<vmem_shared>> -> memref<10112x128xf32, #tpu.memory_space<vmem_shared>>
        tpu.enqueue_indirect_dma source(%arg10 : memref<128x128xf32, #tpu.memory_space<vmem>>) target(%dma_start3A_57 : memref<10112x128xf32, #tpu.memory_space<vmem_shared>>) offsets(%dma_start3A_54 : memref<128xi32, #tpu.memory_space<vmem>>) semaphore(%run_scoped3A_51 : memref<!tpu.dma_semaphore, #tpu.memory_space<semaphore_mem>>) {add = true}
        %dma_wait3A_58 = arith.constant 0 : i32
        %dma_wait3A_59 = tpu.memref_slice %arg8[%run_scoped3A, %dma_wait3A_58] : memref<1x128xi32, #tpu.memory_space<vmem>> -> memref<1x128xi32, #tpu.memory_space<vmem>>
        %dma_wait3A_60 = tpu.memref_squeeze %dma_wait3A_59 : memref<1x128xi32, #tpu.memory_space<vmem>> -> memref<128xi32, #tpu.memory_space<vmem>>
        %dma_wait3A_61 = arith.constant 0 : i32
        %dma_wait3A_62 = arith.constant 0 : i32
        %dma_wait3A_63 = tpu.memref_slice %arg12[%dma_wait3A_61, %dma_wait3A_62] : memref<10112x128xf32, #tpu.memory_space<vmem_shared>> -> memref<10112x128xf32, #tpu.memory_space<vmem_shared>>
        tpu.wait_indirect_dma semaphore(%run_scoped3A_51 : memref<!tpu.dma_semaphore, #tpu.memory_space<semaphore_mem>>) src(%arg10 : memref<128x128xf32, #tpu.memory_space<vmem>>) dst(%dma_wait3A_63 : memref<10112x128xf32, #tpu.memory_space<vmem_shared>>)
        tpu.yield
      }) : () -> ()
    } else {
    }
    %barrier3A_50 = arith.constant 0 : index
    tpu.barrier barrier_id(%barrier3A_50)
    "tpu.region"() ({
      %run_scoped3A = tpu.sem_alloc : memref<!tpu.dma_semaphore, #tpu.memory_space<semaphore_mem>>
      %dma_start3A_51 = arith.constant 0 : i32
      %dma_start3A_52 = tpu.memref_slice %arg6[%arg0, %mul3A_17, %dma_start3A_51] : memref<2x10112x128xf32, #tpu.memory_space<hbm>> -> memref<1x632x128xf32, #tpu.memory_space<hbm>>
      %dma_start3A_53 = tpu.memref_squeeze %dma_start3A_52 : memref<1x632x128xf32, #tpu.memory_space<hbm>> -> memref<632x128xf32, #tpu.memory_space<hbm>>
      %dma_start3A_54 = arith.constant 0 : i32
      %dma_start3A_55 = tpu.memref_slice %arg12[%mul3A_17, %dma_start3A_54] : memref<10112x128xf32, #tpu.memory_space<vmem_shared>> -> memref<632x128xf32, #tpu.memory_space<vmem_shared>>
      tpu.enqueue_dma source(%dma_start3A_55 : memref<632x128xf32, #tpu.memory_space<vmem_shared>>) target(%dma_start3A_53 : memref<632x128xf32, #tpu.memory_space<hbm>>) target_semaphore(%run_scoped3A : memref<!tpu.dma_semaphore, #tpu.memory_space<semaphore_mem>>)
      %dma_wait3A_56 = arith.constant 0 : i32
      %dma_wait3A_57 = tpu.memref_slice %arg6[%arg0, %mul3A_17, %dma_wait3A_56] : memref<2x10112x128xf32, #tpu.memory_space<hbm>> -> memref<1x632x128xf32, #tpu.memory_space<hbm>>
      %dma_wait3A_58 = tpu.memref_squeeze %dma_wait3A_57 : memref<1x632x128xf32, #tpu.memory_space<hbm>> -> memref<632x128xf32, #tpu.memory_space<hbm>>
      %dma_wait3A_59 = arith.constant 0 : i32
      %dma_wait3A_60 = tpu.memref_slice %arg12[%mul3A_17, %dma_wait3A_59] : memref<10112x128xf32, #tpu.memory_space<vmem_shared>> -> memref<632x128xf32, #tpu.memory_space<vmem_shared>>
      tpu.wait_dma2 semaphore(%run_scoped3A : memref<!tpu.dma_semaphore, #tpu.memory_space<semaphore_mem>>) src(%dma_wait3A_60 : memref<632x128xf32, #tpu.memory_space<vmem_shared>>) dst(%dma_wait3A_58 : memref<632x128xf32, #tpu.memory_space<hbm>>)
      tpu.yield
    }) : () -> ()
    return
  }
}

module attributes {stable_mosaic.version = 14 : i64} {
  func.func @_prescale_body(%arg0: i32, %arg1: i32, %arg2: memref<400x128xf32, #tpu.memory_space<vmem>>, %arg3: memref<400x1xf32, #tpu.memory_space<vmem>>, %arg4: memref<1x400x128xf32, #tpu.memory_space<vmem>>) attributes {dimension_semantics = [#tpu.dimension_semantics<arbitrary>, #tpu.dimension_semantics<arbitrary>], iteration_bounds = array<i64: 2, 25>, scalar_prefetch = 0 : i64, scratch_operands = 0 : i64, tpu.core_type = #tpu.core_type<tc>, window_params = [{transform_indices = @transform_0, window_bounds = array<i64: 400, 128>}, {transform_indices = @transform_1, window_bounds = array<i64: 400, 1>}, {transform_indices = @transform_2, window_bounds = array<i64: 1, 400, 128>}]} {
    %get3A = arith.constant 0 : index
    %get3A_0 = arith.constant 0 : index
    %get3A_1 = vector.load %arg2[%get3A, %get3A_0] : memref<400x128xf32, #tpu.memory_space<vmem>>, vector<400x128xf32>
    %get3A_2 = arith.constant 0 : index
    %get3A_3 = arith.constant 0 : index
    %get3A_4 = vector.load %arg3[%get3A_2, %get3A_3] : memref<400x1xf32, #tpu.memory_space<vmem>>, vector<400x1xf32>
    %mul3A = vector.broadcast %get3A_4 : vector<400x1xf32> to vector<400x128xf32>
    %mul3A_5 = arith.mulf %get3A_1, %mul3A : vector<400x128xf32>
    %swap3A = arith.constant 0 : index
    %swap3A_6 = arith.constant 0 : index
    %swap3A_7 = arith.constant 0 : index
    %swap3A_8 = vector.load %arg4[%swap3A, %swap3A_6, %swap3A_7] : memref<1x400x128xf32, #tpu.memory_space<vmem>>, vector<1x400x128xf32>
    %swap3A_9 = vector.shape_cast %swap3A_8 : vector<1x400x128xf32> to vector<400x128xf32>
    %swap3A_10 = vector.shape_cast %mul3A_5 : vector<400x128xf32> to vector<1x400x128xf32>
    tpu.vector_store %arg4[%swap3A, %swap3A_6, %swap3A_7], %swap3A_10 {strides = array<i32>} : memref<1x400x128xf32, #tpu.memory_space<vmem>>, vector<1x400x128xf32>,
    return
  }
  func.func @transform_0(%arg0: i32, %arg1: i32) -> (i32, i32) {
    %c0_i32 = arith.constant 0 : i32
    return %arg1, %arg0 : i32, i32
  }
  func.func @transform_1(%arg0: i32, %arg1: i32) -> (i32, i32) {
    %c0_i32 = arith.constant 0 : i32
    %c0_i32_0 = arith.constant 0 : i32
    return %arg1, %c0_i32 : i32, i32
  }
  func.func @transform_2(%arg0: i32, %arg1: i32) -> (i32, i32, i32) {
    %c0_i32 = arith.constant 0 : i32
    %c0_i32_0 = arith.constant 0 : i32
    return %arg0, %arg1, %c0_i32 : i32, i32, i32
  }
}

module attributes {stable_mosaic.version = 14 : i64} {
  func.func @_mm_body(%arg0: i32, %arg1: memref<2x400x128xf32, #tpu.memory_space<vmem>>, %arg2: memref<256x256xf32, #tpu.memory_space<vmem>>, %arg3: memref<400x1xf32, #tpu.memory_space<vmem>>, %arg4: memref<1x256xf32, #tpu.memory_space<vmem>>, %arg5: memref<400x256xf32, #tpu.memory_space<vmem>>) attributes {dimension_semantics = [#tpu.dimension_semantics<arbitrary>], iteration_bounds = array<i64: 25>, scalar_prefetch = 0 : i64, scratch_operands = 0 : i64, tpu.core_type = #tpu.core_type<tc>, window_params = [{transform_indices = @transform_0, window_bounds = array<i64: 2, 400, 128>}, {pipeline_mode = #tpu.pipeline_mode<synchronous>, transform_indices = @transform_1, window_bounds = array<i64: 256, 256>}, {transform_indices = @transform_2, window_bounds = array<i64: 400, 1>}, {pipeline_mode = #tpu.pipeline_mode<synchronous>, transform_indices = @transform_3, window_bounds = array<i64: 1, 256>}, {transform_indices = @transform_4, window_bounds = array<i64: 400, 256>}]} {
    %get3A = arith.constant 0 : index
    %get3A_0 = arith.constant 0 : index
    %get3A_1 = vector.load %arg2[%get3A, %get3A_0] : memref<256x256xf32, #tpu.memory_space<vmem>>, vector<256x256xf32>
    %get3A_2 = arith.constant 0 : index
    %get3A_3 = arith.constant 0 : index
    %get3A_4 = arith.constant 0 : index
    %get3A_5 = vector.load %arg1[%get3A_2, %get3A_3, %get3A_4] : memref<2x400x128xf32, #tpu.memory_space<vmem>>, vector<1x400x128xf32>
    %get3A_6 = vector.shape_cast %get3A_5 : vector<1x400x128xf32> to vector<400x128xf32>
    %slice3A = vector.extract_strided_slice %get3A_1 {offsets = [0, 0], sizes = [128, 256], strides = [1, 1]} : vector<256x256xf32> to vector<128x256xf32>
    %dot_general3A = arith.constant dense<0.000000e+00> : vector<400x256xf32>
    %dot_general3A_7 = tpu.matmul %get3A_6, %slice3A, %dot_general3A {dimension_numbers = #tpu.dot_dimension_numbers<[1], [0], [0], [1], [0, 0, 1, 1], [], []>, transpose_lhs_hint = false} : vector<400x128xf32>, vector<128x256xf32>, vector<400x256xf32> -> vector<400x256xf32>
    %get3A_8 = arith.constant 1 : index
    %get3A_9 = arith.constant 0 : index
    %get3A_10 = arith.constant 0 : index
    %get3A_11 = vector.load %arg1[%get3A_8, %get3A_9, %get3A_10] : memref<2x400x128xf32, #tpu.memory_space<vmem>>, vector<1x400x128xf32>
    %get3A_12 = vector.shape_cast %get3A_11 : vector<1x400x128xf32> to vector<400x128xf32>
    %slice3A_13 = vector.extract_strided_slice %get3A_1 {offsets = [128, 0], sizes = [128, 256], strides = [1, 1]} : vector<256x256xf32> to vector<128x256xf32>
    %dot_general3A_14 = arith.constant dense<0.000000e+00> : vector<400x256xf32>
    %dot_general3A_15 = tpu.matmul %get3A_12, %slice3A_13, %dot_general3A_14 {dimension_numbers = #tpu.dot_dimension_numbers<[1], [0], [0], [1], [0, 0, 1, 1], [], []>, transpose_lhs_hint = false} : vector<400x128xf32>, vector<128x256xf32>, vector<400x256xf32> -> vector<400x256xf32>
    %add3A = arith.addf %dot_general3A_7, %dot_general3A_15 : vector<400x256xf32>
    %get3A_16 = arith.constant 0 : index
    %get3A_17 = arith.constant 0 : index
    %get3A_18 = vector.load %arg3[%get3A_16, %get3A_17] : memref<400x1xf32, #tpu.memory_space<vmem>>, vector<400x1xf32>
    %mul3A = vector.broadcast %get3A_18 : vector<400x1xf32> to vector<400x256xf32>
    %mul3A_19 = arith.mulf %add3A, %mul3A : vector<400x256xf32>
    %get3A_20 = arith.constant 0 : index
    %get3A_21 = arith.constant 0 : index
    %get3A_22 = vector.load %arg4[%get3A_20, %get3A_21] : memref<1x256xf32, #tpu.memory_space<vmem>>, vector<1x256xf32>
    %add3A_23 = vector.broadcast %get3A_22 : vector<1x256xf32> to vector<400x256xf32>
    %add3A_24 = arith.addf %mul3A_19, %add3A_23 : vector<400x256xf32>
    %max3A = arith.constant 0.000000e+00 : f32
    %max3A_25 = vector.broadcast %max3A : f32 to vector<400x256xf32>
    %max3A_26 = arith.maximumf %add3A_24, %max3A_25 : vector<400x256xf32>
    %swap3A = arith.constant 0 : index
    %swap3A_27 = arith.constant 0 : index
    %swap3A_28 = vector.load %arg5[%swap3A, %swap3A_27] : memref<400x256xf32, #tpu.memory_space<vmem>>, vector<400x256xf32>
    tpu.vector_store %arg5[%swap3A, %swap3A_27], %max3A_26 {strides = array<i32>} : memref<400x256xf32, #tpu.memory_space<vmem>>, vector<400x256xf32>,
    return
  }
  func.func @transform_0(%arg0: i32) -> (i32, i32, i32) {
    %c0_i32 = arith.constant 0 : i32
    %c0_i32_0 = arith.constant 0 : i32
    %c0_i32_1 = arith.constant 0 : i32
    return %c0_i32, %arg0, %c0_i32_0 : i32, i32, i32
  }
  func.func @transform_1(%arg0: i32) -> (i32, i32) {
    %c0_i32 = arith.constant 0 : i32
    %c0_i32_0 = arith.constant 0 : i32
    %c0_i32_1 = arith.constant 0 : i32
    return %c0_i32, %c0_i32_0 : i32, i32
  }
  func.func @transform_2(%arg0: i32) -> (i32, i32) {
    %c0_i32 = arith.constant 0 : i32
    %c0_i32_0 = arith.constant 0 : i32
    return %arg0, %c0_i32 : i32, i32
  }
  func.func @transform_3(%arg0: i32) -> (i32, i32) {
    %c0_i32 = arith.constant 0 : i32
    %c0_i32_0 = arith.constant 0 : i32
    %c0_i32_1 = arith.constant 0 : i32
    return %c0_i32, %c0_i32_0 : i32, i32
  }
  func.func @transform_4(%arg0: i32) -> (i32, i32) {
    %c0_i32 = arith.constant 0 : i32
    %c0_i32_0 = arith.constant 0 : i32
    return %arg0, %c0_i32 : i32, i32
  }
}

</mosaic_0001>

<sc_bundles>
// kernel: kernel.5.cloned.1.call-start
scs
__scs_entry_jumppad:
0x0: {  	(pc) =	sbr.rel $0x88, $3  }
0x1: {  	(tag) =	ssettag $0x0;
	lr =	simm.s32 $0x1  }
0x2: {  	[smem:$0x3F9C] =	sst lr;
	_ =	strace $0xD0000000  }
0x3: {  	_ = 	snop  }
0x4: {  	_ = 	snop  }
0x5: {  	_ = 	snop  }
0x6: {  	_ = 	snop  }
0x7: {  	_ = 	snop  }
__scs_overlays_trampoline_lowered:
0x8: {  	[smem:$0x3FAB] =	sst s0  }
0x9: {  	[smem:$0x3FAC] =	sst s1  }
0xa: {  	[smem:$0x3FAD] =	sst s2  }
0xb: {  	[smem:$0x3FAE] =	sst s3  }
0xc: {  	[smem:$0x3FAF] =	sst s4  }
0xd: {  	[smem:$0x3FB0] =	sst s5  }
0xe: {  	[smem:$0x3FB1] =	sst s6  }
0xf: {  	[smem:$0x3FB2] =	sst s7  }
0x10: {  	[smem:$0x3FB3] =	sst s8  }
0x11: {  	[smem:$0x3FB4] =	sst s9;
	s0 =	simm.s32 @!p0 $0x0  }
0x12: {  	s1 =	sld [smem:$0x3F9A];
	s0 =	simm.s32 @p0 $0x1  }
0x13: {  	[smem:$0x3FB5] =	sst s0;
	s0 =	simm.s32 @!p1 $0x0  }
0x14: {  	s2 =	sld [smem:$0x3F99];
	s0 =	simm.s32 @p1 $0x1  }
0x15: {  	[smem:$0x3FB6] =	sst s0;
	s0 =	simm.s32 @!p2 $0x0  }
0x16: {  	s3 =	sld [smem:$0x3FDB];
	s0 =	simm.s32 @p2 $0x1  }
0x17: {  	s4 =	simm.s32 $0x1BF5;
	[smem:$0x3FB8] =	sst s0  }
0x18: {  	s0 =	sld [smem:$0x3F9B];
	_ =	swait.ge [sflag:s4], $0x0  }
0x19: {  	s7 =	sld [smem:$0x3F9C]  }
0x1a: {  	s8 =	sadd.s32 $0xFFFFE003, lr  }
0x1b: {  	s9 =	sadd.s32 $0xFFFFFEF7, lr;
	s5 =	simm.s32 $0xFFFFFFFF;
	p2 =	slt.u32 s8, $0xFFFFF086  }
0x1c: {  	p1 =	slt.u32 s9, $0xF7A;
	s5 =	simm.s32 @!p2 $0x0  }
0x1d: {  	s5 =	simm.s32 @p1 $0x1;
	p0 =	seq.s32 s7, s2  }
0x1e: {  	s7 =	smul.u32 @!p0 $0xF7A, s2;
	p2 =	seq.s32 @!p0 s5, $0x0  }
0x1f: {  	s9 =	smul.u32 $0xF7A, s1;
	s8 =	simm.s32 @!p0 $0x1BF5;
	p2 =	por !p2, p0  }
0x20: {  	[sflag:s8] =	ssyncset.s32 @!p0 $0xFFFFF086;
	s6 =	sadd.s32 @!p0 s3, s7;
	s7 =	simm.s32 @!p0 $0x108  }
0x21: {  	s3 =	sadd.s32 s3, s9;
	s6 =	sadd.s32 @!p0 $0x88, s6;
	s7 =	simm.s32 @p2 $0x1082  }
0x22: {  	[simem:s7], [sflag:s8] =	dma.local @!p0 [hbm:s6], $0xF7A  }
0x23: {  	s9 =	sor.u32 $0xD0000000, s2;
	s6 =	simm.s32 $0x108;
	_ =	swait.ge @!p0 [sflag:s8], $0x0  }
0x24: {  	s3 =	sadd.s32 $0x88, s3;
	s6 =	simm.s32 @!p1 $0x1082;
	[sflag:s4] =	ssyncset.s32 $0xFFFFF086  }
0x25: {  	[simem:s6], [sflag:s4] =	dma.local [hbm:s3], $0xF7A  }
0x26: {  	[smem:$0x3F9C] =	sst s1;
	(tag) =	ssettag s2;
	_ =	strace s9  }
0x27: {  	s1 =	sld [smem:$0x3FAC]  }
0x28: {  	s2 =	sld [smem:$0x3FAD]  }
0x29: {  	s4 =	sld [smem:$0x3FAF]  }
0x2a: {  	p0 =	seq.s32 s5, $0x0;
	s5 =	sld [smem:$0x3FB0]  }
0x2b: {  	s6 =	sld [smem:$0x3FB1]  }
0x2c: {  	s7 =	sld [smem:$0x3FB2]  }
0x2d: {  	s3 =	simm.s32 $0x108;
	s8 =	sld [smem:$0x3FB3]  }
0x2e: {  	s3 =	simm.s32 @!p0 $0x1082;
	s9 =	sld [smem:$0x3FB4]  }
0x2f: {  	lr =	sadd.s32 s0, s3;
	s0 =	sld [smem:$0x3FAB]  }
0x30: {  	s3 =	sld [smem:$0x3FAE]  }
0x31: {  	[smem:$0x3FB7] =	sst s10  }
0x32: {  	s10 =	sld [smem:$0x3FB5];
	_ =	sdelay $0x3  }
0x33: {  	p0 =	seq.s32 s10, $0x1;
	s10 =	sld [smem:$0x3FB7];
	_ =	sdelay $0x3  }
0x34: {  	[smem:$0x3FB7] =	sst s10  }
0x35: {  	s10 =	sld [smem:$0x3FB6];
	_ =	sdelay $0x3  }
0x36: {  	p1 =	seq.s32 s10, $0x1;
	s10 =	sld [smem:$0x3FB7];
	_ =	sdelay $0x3  }
0x37: {  	[smem:$0x3FB7] =	sst s10  }
0x38: {  	s10 =	sld [smem:$0x3FB8]  }
0x39: {  	_ = 	snop;
	(pc) =	sbr.ind lr, $3  }
0x3a: {  	_ = 	snop  }
0x3b: {  	_ = 	snop  }
0x3c: {  	p2 =	seq.s32 s10, $0x1;
	s10 =	sld [smem:$0x3FB7]  }
0x3d: {  	_ =	shalt  }
0x3e: {  	_ =	shalt  }
0x3f: {  	_ =	shalt  }
0x40: {  	_ =	shalt  }
0x41: {  	_ =	shalt  }
0x42: {  	_ =	shalt  }
0x43: {  	_ =	shalt  }
0x44: {  	_ =	shalt  }
0x45: {  	_ =	shalt  }
0x46: {  	_ =	shalt  }
0x47: {  	_ =	shalt  }
0x48: {  	_ =	shalt  }
0x49: {  	_ =	shalt  }
0x4a: {  	_ =	shalt  }
0x4b: {  	_ =	shalt  }
0x4c: {  	_ =	shalt  }
0x4d: {  	_ =	shalt  }
0x4e: {  	_ =	shalt  }
0x4f: {  	_ =	shalt  }
0x50: {  	_ =	shalt  }
0x51: {  	_ =	shalt  }
0x52: {  	_ =	shalt  }
0x53: {  	_ =	shalt  }
0x54: {  	_ =	shalt  }
0x55: {  	_ =	shalt  }
0x56: {  	_ =	shalt  }
0x57: {  	_ =	shalt  }
0x58: {  	_ =	shalt  }
0x59: {  	_ =	shalt  }
0x5a: {  	_ =	shalt  }
0x5b: {  	_ =	shalt  }
0x5c: {  	_ =	shalt  }
0x5d: {  	_ =	shalt  }
0x5e: {  	_ =	shalt  }
0x5f: {  	_ =	shalt  }
0x60: {  	_ =	shalt  }
0x61: {  	_ =	shalt  }
0x62: {  	_ =	shalt  }
0x63: {  	_ =	shalt  }
0x64: {  	_ =	shalt  }
0x65: {  	_ =	shalt  }
0x66: {  	_ =	shalt  }
0x67: {  	_ =	shalt  }
0x68: {  	_ =	shalt  }
0x69: {  	_ =	shalt  }
0x6a: {  	_ =	shalt  }
0x6b: {  	_ =	shalt  }
0x6c: {  	_ =	shalt  }
0x6d: {  	_ =	shalt  }
0x6e: {  	_ =	shalt  }
0x6f: {  	_ =	shalt  }
0x70: {  	_ =	shalt  }
0x71: {  	_ =	shalt  }
0x72: {  	_ =	shalt  }
0x73: {  	_ =	shalt  }
0x74: {  	_ =	shalt  }
0x75: {  	_ =	shalt  }
0x76: {  	_ =	shalt  }
0x77: {  	_ =	shalt  }
0x78: {  	_ =	shalt  }
0x79: {  	_ =	shalt  }
0x7a: {  	_ =	shalt  }
0x7b: {  	_ =	shalt  }
0x7c: {  	_ =	shalt  }
0x7d: {  	_ =	shalt  }
0x7e: {  	_ =	shalt  }
0x7f: {  	_ =	shalt  }
0x80: {  	_ =	shalt  }
0x81: {  	_ =	shalt  }
0x82: {  	_ =	shalt  }
0x83: {  	_ =	shalt  }
0x84: {  	_ =	shalt  }
0x85: {  	_ =	shalt  }
0x86: {  	_ =	shalt  }
0x87: {  	_ =	shalt  }
.Lfunc_end0:
.L_simem_size_0:
called_computation_lowered:
.L_overlay_start_0:
0x88: {  	s2 =	sld [smem:$0x3FD9]  }
0x89: {  	s3 =	sld [smem:$0x3FFE];
	_ =	sdelay $0x1  }
0x8a: {  	s1 =	srdreg.scid  }
0x8b: {  	s0 =	sand.u32 $0x1, s1  }
0x8c: {  	s17 =	sshll.u32 s0, $0xA;
	s2 =	sadd.s32 s3, s2  }
0x8d: {  	s2 =	sadd.s32 s2, s17  }
0x8e: {  	[smem:$0x3FC3] =	sst s2  }
0x8f: {  	_ = 	snop  }
0x90: {  	s2 =	sld [smem:$0x3FD0];
	(tm) =	ssettm $0x1  }
0x91: {  	s18 =	sld [smem:$0x3FFB];
	_ =	sdelay $0x3  }
0x92: {  	_ =	strace s18  }
0x93: {  	s3 =	sld [smem:$0x3FFC];
	_ =	sdelay $0x3  }
0x94: {  	_ =	strace s3  }
0x95: {  	s3 =	sld [smem:$0x3FFD];
	_ =	sdelay $0x3  }
0x96: {  	_ =	strace s3  }
0x97: {  	_ =	strace $0x8FFFFFFF  }
0x98: {  	s19 =	sld [smem:$0x3FDB];
	_ =	sdelay $0x1  }
0x99: {  	s4 =	simm.s32 $_scs_section_size  }
0x9a: {  	s5 =	simm.s32 $_size__tile_overlayer_lowered;
	s6 =	simm.s32 $_tile_overlayer_lowered  }
0x9b: {  	s22 =	simm.s32 $0x1BFF;
	s21 =	sshll.u32 s6, $0x1;
	s3 =	sadd.s32 s4, s19  }
0x9c: {  	s7 =	simm.s32 $0x0;
	s20 =	sshll.u32 s5, $0x1;
	s5 =	sadd.s32 s21, s3  }
0x9d: {  	[timem:s7], [sflag:s22] =	dma.local [hbm:s5], s20  }
0x9e: {  	_ =	swait.ge [sflag:s22], s20  }
0x9f: {  	s4 =	ssub.s32 $0x0, s20;
	[sflag:s22] =	ssyncset.done $0x0  }
0xa0: {  	[sflag:s22] =	ssyncadd.s32 s4;
	_ =	sdelay $0x1  }
0xa1: {  	s23 =	simm.s32 $0x1B8B  }
0xa2: {  	_ =	swait.ge [sflag:s23], $0x1  }
0xa3: {  	[sflag:s23] =	ssyncset.done $0x0  }
0xa4: {  	s25 =	simm.s32 $0x1B8E;
	s24 =	sld [smem:$0x3FFE];
	[sflag:s23] =	ssyncadd.s32 $0xFFFFFFFF  }
0xa5: {  	s26 =	simm.s32 $execute0_lowered;
	[smem:$0x3FD2] =	sst s25  }
0xa6: {  	s5 =	sshll.u32 s26, $0x1;
	_ =	strace $0x80000046;
	[dreg:$0x1] =	wrdreg $0xFFFFFFFF  }
0xa7: {  	s28 =	simm.s32 $_size_execute0_lowered;
	s3 =	sadd.s32 s3, s5;
	[dreg:$0x0] =	wrdreg $0x0  }
0xa8: {  	s5 =	sshll.u32 s28, $0x1;
	[dreg:$0x2] =	wrdreg s3  }
0xa9: {  	[dreg:$0x3] =	wrdreg s5  }
0xaa: {  	[dreg:$0x4] =	wrdreg $0xC0  }
0xab: {  	_ =	task [dreg:s7], $0x5FFFF  }
0xac: {  	[dreg:$0x1] =	wrdreg $0xFFFFFFFF  }
0xad: {  	[dreg:$0x0] =	wrdreg $0x60  }
0xae: {  	[dreg:$0x2] =	wrdreg s2  }
0xaf: {  	[dreg:$0x3] =	wrdreg s24  }
0xb0: {  	[dreg:$0x4] =	wrdreg $0xA9000  }
0xb1: {  	[dreg:$0x5] =	wrdreg $0x9  }
0xb2: {  	_ =	task.clear_ibuf [dreg:s7], $0x6FFFF;
	_ =	strace $0x90000046  }
0xb3: {  	s29 =	simm.s32 $0x9;
	_ =	strace $0x80000048  }
0xb4: {  	_ =	swait.ge [sflag:s29], $0x1  }
0xb5: {  	[sflag:s29] =	ssyncadd.s32 $0xFFFFFFFF  }
0xb6: {  	_ =	strace $0x90000048  }
0xb7: {  	_ =	sfence  }
0xb8: {  	s30 =	sld [smem:$0x0];
	_ =	sdelay $0x2  }
0xb9: {  	s31 =	sshll.u32 s1, $0xD;
	s1 =	sshrl.u32 s1, $0x2  }
0xba: {  	s3 =	sand.u32 $0x4000, s31;
	s1 =	sadd.s32 s1, s30  }
0xbb: {  	s0 =	sor.u32 s3, s0;
	s1 =	sshll.u32 s1, $0x11  }
0xbc: {  	s0 =	sor.u32 s1, s0  }
0xbd: {  	s0 =	sadd.s32 $0x8F2B, s0  }
0xbe: {  	[sflag:s0] =	ssyncadd.remote.s32 $0x1  }
0xbf: {  	_ =	sfence.sel $0xFFFF  }
0xc0: {  	[dreg:$0x0] =	wrdreg $0xFFFFFFFF;
	(pc) =	sbr.abs _section_cstart, $3  }
0xc1: {  	[dreg:$0x1] =	wrdreg $0xFFFFFFFF  }
0xc2: {  	_ =	task.clear_ibuf [dreg:s7], $0x2FFFF;
	_ =	strace $0x9FFFFFFF  }
0xc3: {  	(tm) =	ssettm $0x7FFFFFFF  }
tec
execute0_lowered:
.L_overlay_start_1:
0x0: {  	(tag) =	ssettag $0x1  }
0x1: {  	s2 =	rddreg [dreg:$0x0]  }
0x2: {  	s0 =	rddreg [dreg:$0x1]  }
0x3: {  	s3 =	rddreg [dreg:$0x2];
	s15 =	stileid.u32;
	s4 =	simm.s32 $0x0  }
0x4: {  	s5 =	srdreg.scid;
	s13 =	simm.s32 $0x80;
	s1 =	smul.u32 $0x500, s15  }
0x5: {  	s14 =	simm.s32 $0x2900;
	s31 =	simm.s32 $0x2880;
	s6 =	smul.u32 $0x13C00, s15  }
0x6: {  	s17 =	simm.s32 $0x6900;
	[smem:$0x7FF] =	sst s4;
	s10 =	smul.u32 $0x2780, s15  }
0x7: {  	s5 =	sand.u32 $0x1, s5;
	s8 =	sadd.s32 $0x600, s0;
	s12 =	smul.u32 $0x4F000, s15  }
0x8: {  	s22 =	smul.u32 $0x4F0, s15;
	s26 =	sand.u32 $0x1, s15;
	s30 =	sshll.u32 s15, $0x6  }
0x9: {  	_ =	strace $0x80000047;
	s7 =	smul.u32 $0x13C000, s5;
	s18 =	ssub.s32 $0x2, s5  }
0xa: {  	p0 =	seq.s32 s5, $0x0;
	p1 =	sne.s32 s26, $0x0;
	[dreg:$0x4] =	wrdreg s31  }
0xb: {  	p2 =	seq.s32 s26, $0x0;
	s1 =	sadd.s32 s1, s0;
	s9 =	sshrl.u32 s6, $0x3  }
0xc: {  	s11 =	sshrl.u32 s18, $0x1;
	s20 =	sshrl.u32 s10, $0x3;
	s21 =	sshrl.u32 s12, $0x2  }
0xd: {  	s12 =	simm.s32 $0x2800;
	s6 =	sadd.s32 s6, s7;
	s9 =	sadd.s32 s9, s0  }
0xe: {  	s19 =	ssub.s32 s18, s11;
	s1 =	sadd.s32 $0x5600, s1;
	s23 =	sadd.s32 s8, s20  }
0xf: {  	s24 =	sadd.s32 s21, s3;
	s8 =	sadd.s32 s22, s8;
	[dreg:$0x5] =	wrdreg s1  }
0x10: {  	s18 =	simm.s32 $0x1;
	[dreg:$0x6] =	wrdreg s23;
	s25 =	sadd.s32 $0xA600, s9  }
0x11: {  	s20 =	simm.s32 $0x2;
	s28 =	smax.u32 s19, $0x1;
	[dreg:$0x7] =	wrdreg s25  }
0x12: {  	s21 =	simm.s32 $0x4;
	s29 =	sadd.s32 $0x10, s8;
	[dreg:$0x9] =	wrdreg s28  }
0x13: {  	s6 =	sshrl.u32 s6, $0x3;
	s8 =	sor.u32 $0x1C05, s30;
	[dreg:$0xa] =	wrdreg s29  }
0x14: {  	s9 =	sshrl.u32 s24, $0x3;
	s0 =	sadd.s32 s6, s0;
	[dreg:$0xb] =	wrdreg s8  }
0x15: {  	s19 =	simm.s32 $0x3;
	[dreg:$0xc] =	wrdreg s9;
	s0 =	sadd.s32 $0x31E00, s0  }
0x16: {  	s1 =	simm.s32 $0x0;
	s6 =	simm.s32 $0x5;
	[dreg:$0x8] =	wrdreg s0  }
.LBB2_1:
0x17: {  	[dreg:$0xd] =	wrdreg s1  }
.Ltmp0:
0x18: {  	s0 =	rddreg [dreg:$0x5];
	(pc) =	sbr.rel @p0 .LBB2_5-.Ltmp0, $4  }
0x19: {  	[tilespmem:s4], [sflag:$0x5] =	stream.linear.gather [hbm4b:s0+s4], $0x2780, $0x38;
	[tilespmem:$0x1E500] =	vst v63  }
0x1a: {  	_ =	swait.ge [sflag:s6], $0x2780  }
0x1b: {  	[sflag:s6] =	ssyncset.done $0x0  }
0x1c: {  	[sflag:s6] =	ssyncadd.s32 $0xFFFFD880  }
0x1d: {  	s0 =	simm.s32 $0x0  }
0x1e: {  	v2 =	vld [tilespmem:s0+$0x0]  }
0x1f: {  	v4 =	vld [tilespmem:s0+$0x10]  }
0x20: {  	v3 =	vld [tilespmem:s0+$0x20]  }
0x21: {  	v1 =	vld [tilespmem:s0+$0x30]  }
0x22: {  	v0 =	vld [tilespmem:s0+$0x40]  }
0x23: {  	v5 =	vadd.s32 $0x2710, v2;
	v2 =	vld [tilespmem:s0+$0x50]  }
0x24: {  	s1 =	simm.s32 $0x200;
	[tilespmem:s0+$0x0] =	vst v5;
	v5 =	vadd.s32 $0x2710, v4;
	v4 =	vld [tilespmem:s0+$0x60]  }
.LBB2_3:
0x25: {  	s5 =	sshra.s32 s1, $0x2;
	p3 =	sne.s32 s1, $0x9C00;
	[tilespmem:s0+$0x10] =	vst v5;
	v3 =	vadd.s32 $0x2710, v3;
	v5 =	vld [tilespmem:s0+$0x70]  }
0x26: {  	v6 =	vld [tilespmem:s5+$0x0];
	[tilespmem:s0+$0x20] =	vst v3;
	v1 =	vadd.s32 $0x2710, v1  }
0x27: {  	v7 =	vld [tilespmem:s5+$0x10];
	[tilespmem:s0+$0x30] =	vst v1;
	v0 =	vadd.s32 $0x2710, v0  }
.Ltmp1:
0x28: {  	v3 =	vld [tilespmem:s5+$0x20];
	[tilespmem:s0+$0x40] =	vst v0;
	v0 =	vadd.s32 $0x2710, v2;
	(pc) =	sbr.rel @p3 .LBB2_3-.Ltmp1, $4  }
0x29: {  	v1 =	vld [tilespmem:s5+$0x30];
	[tilespmem:s0+$0x50] =	vst v0;
	v2 =	vadd.s32 $0x2710, v4  }
0x2a: {  	v0 =	vld [tilespmem:s5+$0x40];
	[tilespmem:s0+$0x60] =	vst v2;
	v4 =	vadd.s32 $0x2710, v5  }
0x2b: {  	v5 =	vadd.s32 $0x2710, v6;
	v2 =	vld [tilespmem:s5+$0x50];
	[tilespmem:s0+$0x70] =	vst v4;
	s0 =	smov.u32 s5  }
0x2c: {  	s1 =	sadd.s32 $0x200, s1;
	[tilespmem:s0+$0x0] =	vst v5;
	v5 =	vadd.s32 $0x2710, v7;
	v4 =	vld [tilespmem:s0+$0x60]  }
0x2d: {  	[tilespmem:s0+$0x10] =	vst v5;
	v3 =	vadd.s32 $0x2710, v3;
	v60 =	vld [tilespmem:s0+$0x70]  }
0x2e: {  	[tilespmem:s0+$0x20] =	vst v3;
	v1 =	vadd.s32 $0x2710, v1  }
0x2f: {  	[tilespmem:s0+$0x30] =	vst v1;
	v0 =	vadd.s32 $0x2710, v0  }
0x30: {  	[tilespmem:s0+$0x40] =	vst v0;
	v61 =	vadd.s32 $0x2710, v2  }
0x31: {  	[tilespmem:s0+$0x50] =	vst v61;
	v62 =	vadd.s32 $0x2710, v4  }
0x32: {  	[tilespmem:s0+$0x60] =	vst v62;
	v63 =	vadd.s32 $0x2710, v60  }
0x33: {  	[tilespmem:s0+$0x70] =	vst v63  }
.LBB2_5:
0x34: {  	s0 =	rddreg [dreg:$0x6]  }
0x35: {  	[tilespmem:s12], [sflag:$0x3] =	stream.linear.gather [hbm4b:s0+s4], $0x80, $0x38;
	[tilespmem:$0x1E500] =	vst v63  }
0x36: {  	s10 =	rddreg [dreg:$0x7]  }
0x37: {  	[tilespmem:s14], [sflag:$0x1] =	stream.indirect.gather [hbm4b:s2+s13], $0x80, s4, s13, $0xb8;
	[tilespmem:$0x1E500] =	vst v63  }
0x38: {  	[spmem:s9], [sflag:s8] =	dma.local [hbm:s10], $0x2780  }
0x39: {  	_ =	swait.ge [sflag:s6], $0x2780  }
0x3a: {  	[sflag:s6] =	ssyncset.done $0x0  }
0x3b: {  	[sflag:s6] =	ssyncadd.s32 $0xFFFFD880  }
0x3c: {  	[bflag:$0x0] =	sbarrier.arrive $0xFFFF  }
0x3d: {  	s11 =	rddreg [dreg:$0x4]  }
0x3e: {  	s10 =	rddreg [dreg:$0xa]  }
0x3f: {  	[tilespmem:s11], [sflag:$0x4] =	stream.linear.gather [hbm4b:s10+s4], $0x80, $0x38;
	[tilespmem:$0x1E500] =	vst v63  }
0x40: {  	s15 =	simm.s32 $0x80  }
0x41: {  	[tilespmem:s17], [sflag:$0x2] =	stream.indirect.gather [hbm4b:s2+s13], $0x80, s15, s13, $0xb8;
	[tilespmem:$0x1E500] =	vst v63  }
0x42: {  	_ =	swait.ge [sflag:s18], $0x4000  }
0x43: {  	[sflag:s18] =	ssyncset.done $0x0  }
0x44: {  	[sflag:s18] =	ssyncadd.s32 $0xFFFFC000  }
0x45: {  	_ =	swait.ge [sflag:s19], $0x80  }
0x46: {  	[sflag:s19] =	ssyncset.done $0x0  }
0x47: {  	s23 =	simm.s32 @p1 $0x2900;
	s30 =	simm.s32 @p1 $0x6;
	[sflag:s19] =	ssyncadd.s32 $0xFFFFFF80  }
0x48: {  	s24 =	simm.s32 @p1 $0x80;
	s26 =	simm.s32 @p1 $0x2800;
	[bflag:$0x0] =	sbarrier.arrive @p1 $0xFFFF  }
0x49: {  	[spmem:s3] =	stream.indirect.scatter.add.f32 @p1 [tilespmem:s23], [sflag:$0x6], $0x80, s26, s24, $0xb8;
	[tilespmem:$0x1E500] =	vst v63  }
0x4a: {  	_ =	swait.ge @p1 [sflag:s30], $0x4000  }
0x4b: {  	s25 =	simm.s32 @!p1 $0x2900;
	s31 =	simm.s32 @!p1 $0x6;
	[sflag:s30] =	ssyncset.done @p1 $0x0  }
0x4c: {  	s28 =	simm.s32 @!p1 $0x80;
	s29 =	simm.s32 @!p1 $0x2800;
	[sflag:s30] =	ssyncadd.s32 @p1 $0xFFFFC000  }
0x4d: {  	[spmem:s3] =	stream.indirect.scatter.add.f32 @!p1 [tilespmem:s25], [sflag:$0x6], $0x80, s29, s28, $0xb8;
	[tilespmem:$0x1E500] =	vst v63  }
0x4e: {  	_ =	swait.ge @!p1 [sflag:s31], $0x4000  }
0x4f: {  	[sflag:s31] =	ssyncset.done @!p1 $0x0  }
0x50: {  	[sflag:s31] =	ssyncadd.s32 @!p1 $0xFFFFC000  }
0x51: {  	s16 =	sadd.s32 $0x10, s10;
	[bflag:$0x0] =	sbarrier.arrive @!p1 $0xFFFF  }
0x52: {  	[tilespmem:s12], [sflag:$0x3] =	stream.linear.gather [hbm4b:s16+s4], $0x80, $0x38;
	[tilespmem:$0x1E500] =	vst v63  }
0x53: {  	s22 =	simm.s32 $0x100  }
0x54: {  	[tilespmem:s14], [sflag:$0x1] =	stream.indirect.gather [hbm4b:s2+s13], $0x80, s22, s13, $0xb8;
	[tilespmem:$0x1E500] =	vst v63  }
0x55: {  	_ =	swait.ge [sflag:s20], $0x4000  }
0x56: {  	[sflag:s20] =	ssyncset.done $0x0  }
0x57: {  	[sflag:s20] =	ssyncadd.s32 $0xFFFFC000  }
0x58: {  	_ =	swait.ge [sflag:s21], $0x80  }
0x59: {  	[sflag:s21] =	ssyncset.done $0x0  }
0x5a: {  	s1 =	simm.s32 @p2 $0x5;
	s5 =	simm.s32 @p2 $0x80;
	[sflag:s21] =	ssyncadd.s32 $0xFFFFFF80  }
0x5b: {  	s0 =	simm.s32 @p2 $0x6900;
	s6 =	simm.s32 @p2 $0x2880;
	[bflag:$0x0] =	sbarrier.arrive @p2 $0xFFFF  }
0x5c: {  	[spmem:s3] =	stream.indirect.scatter.add.f32 @p2 [tilespmem:s0], [sflag:$0x5], $0x80, s6, s5, $0xb8;
	[tilespmem:$0x1E500] =	vst v63  }
0x5d: {  	_ =	swait.ge @p2 [sflag:s1], $0x4000  }
0x5e: {  	s7 =	simm.s32 @!p2 $0x6;
	s8 =	simm.s32 @!p2 $0x2880;
	[sflag:s1] =	ssyncset.done @p2 $0x0  }
0x5f: {  	s9 =	simm.s32 @!p2 $0x6900;
	s15 =	simm.s32 @!p2 $0x80;
	[sflag:s1] =	ssyncadd.s32 @p2 $0xFFFFC000  }
0x60: {  	[spmem:s3] =	stream.indirect.scatter.add.f32 @!p2 [tilespmem:s9], [sflag:$0x6], $0x80, s8, s15, $0xb8;
	[tilespmem:$0x1E500] =	vst v63  }
0x61: {  	_ =	swait.ge @!p2 [sflag:s7], $0x4000  }
0x62: {  	[sflag:s7] =	ssyncset.done @!p2 $0x0  }
0x63: {  	s16 =	simm.s32 $0xFFFF6800;
	[sflag:s7] =	ssyncadd.s32 @!p2 $0xFFFFC000  }
.LBB2_6:
0x64: {  	[bflag:$0x0] =	sbarrier.arrive @!p2 $0xFFFF;
	s11 =	smov.u32 s16  }
0x65: {  	s10 =	sadd.s32 $0x20, s10;
	s22 =	rddreg [dreg:$0x4];
	s11 =	sshra.s32 s11, $0x2  }
0x66: {  	[tilespmem:s22], [sflag:$0x4] =	stream.linear.gather [hbm4b:s10+s4], $0x80, $0x38;
	[tilespmem:$0x1E500] =	vst v63  }
0x67: {  	s22 =	sadd.s32 $0x2780, s11  }
0x68: {  	[tilespmem:s17], [sflag:$0x2] =	stream.indirect.gather [hbm4b:s2+s13], $0x80, s22, s13, $0xb8;
	[tilespmem:$0x1E500] =	vst v63  }
0x69: {  	_ =	swait.ge [sflag:s18], $0x4000  }
0x6a: {  	[sflag:s18] =	ssyncset.done $0x0  }
0x6b: {  	[sflag:s18] =	ssyncadd.s32 $0xFFFFC000  }
0x6c: {  	_ =	swait.ge [sflag:s19], $0x80  }
0x6d: {  	[sflag:s19] =	ssyncset.done $0x0  }
0x6e: {  	[sflag:s19] =	ssyncadd.s32 $0xFFFFFF80  }
0x6f: {  	[bflag:$0x0] =	sbarrier.arrive @p1 $0xFFFF  }
0x70: {  	[spmem:s3] =	stream.indirect.scatter.add.f32 @p1 [tilespmem:s23], [sflag:$0x6], $0x80, s26, s24, $0xb8;
	[tilespmem:$0x1E500] =	vst v63  }
0x71: {  	_ =	swait.ge @p1 [sflag:s30], $0x4000  }
0x72: {  	[sflag:s30] =	ssyncset.done @p1 $0x0  }
0x73: {  	[sflag:s30] =	ssyncadd.s32 @p1 $0xFFFFC000  }
0x74: {  	[spmem:s3] =	stream.indirect.scatter.add.f32 @!p1 [tilespmem:s25], [sflag:$0x6], $0x80, s29, s28, $0xb8;
	[tilespmem:$0x1E500] =	vst v63  }
0x75: {  	_ =	swait.ge @!p1 [sflag:s31], $0x4000  }
0x76: {  	[sflag:s31] =	ssyncset.done @!p1 $0x0  }
0x77: {  	[sflag:s31] =	ssyncadd.s32 @!p1 $0xFFFFC000  }
0x78: {  	s22 =	sadd.s32 $0x10, s10;
	[bflag:$0x0] =	sbarrier.arrive @!p1 $0xFFFF  }
0x79: {  	[tilespmem:s12], [sflag:$0x3] =	stream.linear.gather [hbm4b:s22+s4], $0x80, $0x38;
	[tilespmem:$0x1E500] =	vst v63  }
0x7a: {  	s11 =	sadd.s32 $0x2800, s11  }
0x7b: {  	[tilespmem:s14], [sflag:$0x1] =	stream.indirect.gather [hbm4b:s2+s13], $0x80, s11, s13, $0xb8;
	[tilespmem:$0x1E500] =	vst v63  }
0x7c: {  	_ =	swait.ge [sflag:s20], $0x4000  }
0x7d: {  	[sflag:s20] =	ssyncset.done $0x0  }
0x7e: {  	[sflag:s20] =	ssyncadd.s32 $0xFFFFC000  }
0x7f: {  	_ =	swait.ge [sflag:s21], $0x80  }
0x80: {  	[sflag:s21] =	ssyncset.done $0x0  }
0x81: {  	[sflag:s21] =	ssyncadd.s32 $0xFFFFFF80  }
0x82: {  	[bflag:$0x0] =	sbarrier.arrive @p2 $0xFFFF  }
0x83: {  	[spmem:s3] =	stream.indirect.scatter.add.f32 @p2 [tilespmem:s0], [sflag:$0x5], $0x80, s6, s5, $0xb8;
	[tilespmem:$0x1E500] =	vst v63  }
0x84: {  	s16 =	sadd.s32 $0x400, s16;
	_ =	swait.ge @p2 [sflag:s1], $0x4000  }
0x85: {  	p3 =	sne.s32 s16, $0x0;
	[sflag:s1] =	ssyncset.done @p2 $0x0  }
.Ltmp2:
0x86: {  	[sflag:s1] =	ssyncadd.s32 @p2 $0xFFFFC000;
	(pc) =	sbr.rel @p3 .LBB2_6-.Ltmp2, $4  }
0x87: {  	[spmem:s3] =	stream.indirect.scatter.add.f32 @!p2 [tilespmem:s9], [sflag:$0x6], $0x80, s8, s15, $0xb8;
	[tilespmem:$0x1E500] =	vst v63  }
0x88: {  	_ =	swait.ge @!p2 [sflag:s7], $0x4000  }
0x89: {  	[sflag:s7] =	ssyncset.done @!p2 $0x0  }
0x8a: {  	[sflag:s7] =	ssyncadd.s32 @!p2 $0xFFFFC000  }
0x8b: {  	[bflag:$0x0] =	sbarrier.arrive @!p2 $0xFFFF  }
0x8c: {  	_ =	swait.ge [sflag:s18], $0x4000  }
0x8d: {  	[sflag:s18] =	ssyncset.done $0x0  }
0x8e: {  	[sflag:s18] =	ssyncadd.s32 $0xFFFFC000  }
0x8f: {  	_ =	swait.ge [sflag:s19], $0x80  }
0x90: {  	[sflag:s19] =	ssyncset.done $0x0  }
0x91: {  	[sflag:s19] =	ssyncadd.s32 $0xFFFFFF80  }
0x92: {  	s0 =	simm.s32 @p1 $0x5;
	[bflag:$0x0] =	sbarrier.arrive @p1 $0xFFFF  }
0x93: {  	[spmem:s3] =	stream.indirect.scatter.add.f32 @p1 [tilespmem:s23], [sflag:$0x5], $0x80, s26, s24, $0xb8;
	[tilespmem:$0x1E500] =	vst v63  }
0x94: {  	_ =	swait.ge @p1 [sflag:s0], $0x4000  }
0x95: {  	[sflag:s0] =	ssyncset.done @p1 $0x0  }
0x96: {  	[sflag:s0] =	ssyncadd.s32 @p1 $0xFFFFC000;
	s0 =	simm.s32 @!p1 $0x5  }
0x97: {  	[spmem:s3] =	stream.indirect.scatter.add.f32 @!p1 [tilespmem:s25], [sflag:$0x5], $0x80, s29, s28, $0xb8;
	[tilespmem:$0x1E500] =	vst v63  }
0x98: {  	_ =	swait.ge @!p1 [sflag:s0], $0x4000  }
0x99: {  	[sflag:s0] =	ssyncset.done @!p1 $0x0  }
0x9a: {  	[sflag:s0] =	ssyncadd.s32 @!p1 $0xFFFFC000  }
0x9b: {  	[bflag:$0x0] =	sbarrier.arrive @!p1 $0xFFFF  }
0x9c: {  	[bflag:$0x0] =	sbarrier.arrive $0xFFFF  }
0x9d: {  	s30 =	rddreg [dreg:$0x8]  }
0x9e: {  	s8 =	rddreg [dreg:$0xb]  }
0x9f: {  	s6 =	simm.s32 $0x5;
	s9 =	rddreg [dreg:$0xc]  }
0xa0: {  	[hbm:s30], [sflag:s8] =	dma.local [spmem:s9], $0x2780  }
0xa1: {  	_ =	swait.ge [sflag:s6], $0x2780  }
0xa2: {  	s1 =	rddreg [dreg:$0xd]  }
0xa3: {  	s31 =	rddreg [dreg:$0x9];
	s1 =	sadd.s32 $0x1, s1  }
0xa4: {  	p3 =	sne.s32 s1, s31  }
.Ltmp3:
0xa5: {  	_ = 	snop;
	(pc) =	sbr.rel @p3 .LBB2_1-.Ltmp3, $3  }
0xa6: {  	_ =	sdelay $0x1  }
0xa7: {  	[sflag:s6] =	ssyncset.done $0x0  }
0xa8: {  	[sflag:s6] =	ssyncadd.s32 $0xFFFFD880  }
0xa9: {  	_ =	sfence.sel $0x180000  }
0xaa: {  	[bflag:$0x0] =	sbarrier.arrive $0xFFFF  }
0xab: {  	_ =	strace $0x90000047  }
0xac: {  	s0 =	stileid.u32;
	[bflag:$0x2] =	sbarrier.arrive $0xFFFF  }
0xad: {  	p0 =	sne.s32 s0, $0x0;
	s0 =	rddreg [dreg:$0x3]  }
0xae: {  	s0 =	sadd.s32 @!p0 $0x100000, s0  }
0xaf: {  	[sflag:s0] =	ssyncadd.tile.s32 @!p0 $0x1;
	_ =	shalt  }
.Lfunc_end2:
_tile_overlayer_lowered:
.L_overlay_start_2:
0xb0: {  	(tag) =	ssettag $0x2  }
0xb1: {  	s0 =	rddreg [dreg:$0x0];
	s2 =	stileid.u32  }
0xb2: {  	s1 =	rddreg [dreg:$0x1];
	p0 =	sne.s32 s2, $0x0  }
0xb3: {  	s3 =	rddreg [dreg:$0x2];
	[bflag:$0x3] =	sbarrier.arrive $0xFFFF;
	s2 =	simm.s32 @!p0 $0x1C05  }
0xb4: {  	[timem:s3], [sflag:s2] =	dma.local @!p0 [hbm:s0], s1  }
0xb5: {  	s0 =	simm.s32 @!p0 $0x5  }
0xb6: {  	_ =	swait.ge @!p0 [sflag:s0], s1  }
0xb7: {  	s1 =	ssub.s32 @!p0 $0x0, s1;
	[sflag:s0] =	ssyncset.done @!p0 $0x0  }
0xb8: {  	[sflag:s0] =	ssyncadd.s32 @!p0 s1  }
0xb9: {  	[bflag:$0x3] =	sbarrier.arrive $0xFFFF  }
0xba: {  	_ =	shalt  }

</sc_bundles>
